<compile_context>
chip_gen: v7x
topology: tpu7x:2x2x1
jax: 0.10.2.dev20260603
libtpu: 0.0.44.dev20260713+nightly
codegen_flags: <defaults>
</compile_context>

<pallas_src>
import jax
import jax.numpy as jnp
from jax import lax
from jax.experimental import pallas as pl
from jax.experimental.pallas import tpu as pltpu
from jax.experimental.pallas import tpu_sc as plsc

VOCAB = 1_000_000
EMBED = 64
BATCH = 4096
HIST = 200

_NC = 2
_NS = 16
_NW = _NC * _NS
_B = BATCH * HIST
_CHUNK = 128
_CHUNKS = _B // (_NW * _CHUNK)
_NSLOT = 4
_CPS = 2
_GRP = _NSLOT * _CPS
_GROUPS = _CHUNKS // _GRP


def _gather_body(w_hbm, data_hbm, out_hbm, idx_v, bufs_v, gsem, osem):
    wid = lax.axis_index("s") * _NC + lax.axis_index("c")
    pltpu.sync_copy(data_hbm.at[wid], idx_v)
    row_base = wid * _CHUNKS * _CHUNK

    def fire_gather(c, s, h):
        pltpu.async_copy(w_hbm.at[idx_v.at[c]],
                         bufs_v.at[s, pl.ds(h * _CHUNK, _CHUNK)], gsem.at[s])

    def wait_gather(c, s, h):
        pltpu.make_async_copy(
            w_hbm.at[idx_v.at[c]],
            bufs_v.at[s, pl.ds(h * _CHUNK, _CHUNK)], gsem.at[s]).wait()

    def out_slice(c0):
        return out_hbm.at[pl.ds(row_base + c0 * _CHUNK, _CPS * _CHUNK)]

    def fire_copyout(c0, s):
        pltpu.async_copy(bufs_v.at[s], out_slice(c0), osem.at[s])

    def wait_copyout(c0, s):
        pltpu.make_async_copy(bufs_v.at[s], out_slice(c0), osem.at[s]).wait()

    for s in range(_NSLOT):
        for h in range(_CPS):
            fire_gather(s * _CPS + h, s, h)

    def group_step(g, carry):
        for s in range(_NSLOT):
            c0 = g * _GRP + s * _CPS
            for h in range(_CPS):
                wait_gather(c0 + h, s, h)
            fire_copyout(c0, s)
        for s in range(_NSLOT):
            c0 = g * _GRP + s * _CPS
            wait_copyout(c0, s)
            for h in range(_CPS):
                fire_gather(c0 + _GRP + h, s, h)
        return carry

    lax.fori_loop(0, _GROUPS - 1, group_step, 0)

    for s in range(_NSLOT):
        c0 = (_GROUPS - 1) * _GRP + s * _CPS
        for h in range(_CPS):
            wait_gather(c0 + h, s, h)
        fire_copyout(c0, s)
    for s in range(_NSLOT):
        c0 = (_GROUPS - 1) * _GRP + s * _CPS
        wait_copyout(c0, s)


def kernel(data, W):
    idx = data.reshape(_NW, _CHUNKS, _CHUNK)
    mesh = plsc.VectorSubcoreMesh(core_axis_name="c", subcore_axis_name="s")
    out_flat = pl.kernel(
        _gather_body,
        mesh=mesh,
        compiler_params=pltpu.CompilerParams(use_tc_tiling_on_sc=False),
        out_type=jax.ShapeDtypeStruct((_B, EMBED), jnp.float32),
        scratch_types=[
            pltpu.VMEM((_CHUNKS, _CHUNK), jnp.int32),
            pltpu.VMEM((_NSLOT, _CPS * _CHUNK, EMBED), jnp.float32),
            pltpu.SemaphoreType.DMA((_NSLOT,)),
            pltpu.SemaphoreType.DMA((_NSLOT,)),
        ],
    )(W, idx)
    return out_flat.reshape(BATCH, HIST, EMBED)

# --- scband reference (transcript-rebuilt; emitter-appended) ---
"""Pipeline reference for scband-embedding-layer-33466385171000 (READ-ONLY COPY).

The authoritative reference and input builder live on the scoring server;
editing this copy changes nothing except your own understanding.
"""

import jax, jax.numpy as jnp
import numpy as np

VOCAB = 1000000
EMBED = 64
BATCH = 4096
HIST = 200

def setup_inputs(seed: int = 0) -> dict:
    key = jax.random.key(seed)
    k1, k2 = jax.random.split(key)
    data = jax.random.randint(k1, (BATCH, HIST), 0, VOCAB, dtype=jnp.int32)
    # learned parameter: embedding table sized per init_kwargs
    W = jax.random.normal(k2, (VOCAB, EMBED), dtype=jnp.float32) * 0.02
    return {"data": data, "W": W}

def reference(data, W):
    # EmbeddingLayer.forward: dropout(embedding(data))
    # Embedding lookup -> gather along axis 0 of the table.
    emb = jnp.take(W, data, axis=0)  # (BATCH, HIST, EMBED)
    # Dropout in eval mode is identity (deterministic reference).
    return emb

if __name__ == "__main__":
    import jax
    _d = setup_inputs()
    print(jax.jit(kernel)(*tuple(_d.values())))

</pallas_src>

<mosaic_0001>
#map = affine_map<(d0, d1) -> (0, 0)>
#map1 = affine_map<(d0, d1) -> (0, 0, 0)>
module attributes {stable_mosaic.version = 14 : i64} {
  func.func @_gather_body(%arg0: i32, %arg1: i32, %arg2: memref<1000000x64xf32, #tpu.memory_space<hbm>>, %arg3: memref<32x200x128xi32, #tpu.memory_space<hbm>>, %arg4: memref<819200x64xf32, #tpu.memory_space<hbm>>, %arg5: memref<200x128xi32, #tpu.memory_space<vmem>>, %arg6: memref<4x256x64xf32, #tpu.memory_space<vmem>>, %arg7: memref<4x!tpu.dma_semaphore, #tpu.memory_space<semaphore_mem>>, %arg8: memref<4x!tpu.dma_semaphore, #tpu.memory_space<semaphore_mem>>) attributes {dimension_semantics = [#tpu.dimension_semantics<core_parallel>, #tpu.dimension_semantics<subcore_parallel>], iteration_bounds = array<i64: 2, 16>, scalar_prefetch = 0 : i64, scratch_operands = 4 : i64, tpu.core_type = #tpu.core_type<sc_vector_subcore>, window_params = [{transform_indices = #map}, {transform_indices = #map1}, {transform_indices = #map}]} {
    %mul3A = arith.constant 2 : i32
    %mul3A_0 = arith.muli %arg1, %mul3A : i32
    %add3A = arith.addi %mul3A_0, %arg0 : i32
    "tpu.region"() ({
      %run_scoped3A = tpu.sem_alloc : memref<!tpu.dma_semaphore, #tpu.memory_space<semaphore_mem>>
      %dma_start3A_392 = arith.constant 0 : i32
      %dma_start3A_393 = arith.constant 0 : i32
      %dma_start3A_394 = tpu.memref_slice %arg3[%add3A, %dma_start3A_392, %dma_start3A_393] : memref<32x200x128xi32, #tpu.memory_space<hbm>> -> memref<1x200x128xi32, #tpu.memory_space<hbm>>
      %dma_start3A_395 = tpu.memref_squeeze %dma_start3A_394 : memref<1x200x128xi32, #tpu.memory_space<hbm>> -> memref<200x128xi32, #tpu.memory_space<hbm>>
      %dma_start3A_396 = arith.constant 0 : i32
      %dma_start3A_397 = arith.constant 0 : i32
      %dma_start3A_398 = tpu.memref_slice %arg3[%add3A, %dma_start3A_396, %dma_start3A_397] : memref<32x200x128xi32, #tpu.memory_space<hbm>> -> memref<1x200x128xi32, #tpu.memory_space<hbm>>
      %dma_start3A_399 = tpu.memref_squeeze %dma_start3A_398 : memref<1x200x128xi32, #tpu.memory_space<hbm>> -> memref<200x128xi32, #tpu.memory_space<hbm>>
      tpu.enqueue_dma source(%dma_start3A_399 : memref<200x128xi32, #tpu.memory_space<hbm>>) target(%arg5 : memref<200x128xi32, #tpu.memory_space<vmem>>) target_semaphore(%run_scoped3A : memref<!tpu.dma_semaphore, #tpu.memory_space<semaphore_mem>>)
      %dma_wait3A_400 = arith.constant 0 : i32
      %dma_wait3A_401 = arith.constant 0 : i32
      %dma_wait3A_402 = tpu.memref_slice %arg3[%add3A, %dma_wait3A_400, %dma_wait3A_401] : memref<32x200x128xi32, #tpu.memory_space<hbm>> -> memref<1x200x128xi32, #tpu.memory_space<hbm>>
      %dma_wait3A_403 = tpu.memref_squeeze %dma_wait3A_402 : memref<1x200x128xi32, #tpu.memory_space<hbm>> -> memref<200x128xi32, #tpu.memory_space<hbm>>
      %dma_wait3A_404 = arith.constant 0 : i32
      %dma_wait3A_405 = arith.constant 0 : i32
      %dma_wait3A_406 = tpu.memref_slice %arg3[%add3A, %dma_wait3A_404, %dma_wait3A_405] : memref<32x200x128xi32, #tpu.memory_space<hbm>> -> memref<1x200x128xi32, #tpu.memory_space<hbm>>
      %dma_wait3A_407 = tpu.memref_squeeze %dma_wait3A_406 : memref<1x200x128xi32, #tpu.memory_space<hbm>> -> memref<200x128xi32, #tpu.memory_space<hbm>>
      tpu.wait_dma2 semaphore(%run_scoped3A : memref<!tpu.dma_semaphore, #tpu.memory_space<semaphore_mem>>) src(%dma_wait3A_407 : memref<200x128xi32, #tpu.memory_space<hbm>>) dst(%arg5 : memref<200x128xi32, #tpu.memory_space<vmem>>)
      tpu.yield
    }) : () -> ()
    %mul3A_1 = arith.constant 200 : i32
    %mul3A_2 = arith.muli %add3A, %mul3A_1 : i32
    %mul3A_3 = arith.constant 128 : i32
    %mul3A_4 = arith.muli %mul3A_2, %mul3A_3 : i32
    %dma_start3A = arith.constant 0 : i32
    %dma_start3A_5 = arith.constant 0 : i32
    %dma_start3A_6 = arith.constant 0 : i32
    %dma_start3A_7 = arith.constant 0 : i32
    %dma_start3A_8 = arith.constant 0 : i32
    %dma_start3A_9 = tpu.memref_slice %arg6[%dma_start3A_5, %dma_start3A_7, %dma_start3A_8] : memref<4x256x64xf32, #tpu.memory_space<vmem>> -> memref<1x128x64xf32, #tpu.memory_space<vmem>>
    %dma_start3A_10 = tpu.memref_squeeze %dma_start3A_9 : memref<1x128x64xf32, #tpu.memory_space<vmem>> -> memref<128x64xf32, #tpu.memory_space<vmem>>
    %dma_start3A_11 = arith.constant 0 : i32
    %dma_start3A_12 = tpu.memref_slice %arg5[%dma_start3A, %dma_start3A_11] : memref<200x128xi32, #tpu.memory_space<vmem>> -> memref<1x128xi32, #tpu.memory_space<vmem>>
    %dma_start3A_13 = tpu.memref_squeeze %dma_start3A_12 : memref<1x128xi32, #tpu.memory_space<vmem>> -> memref<128xi32, #tpu.memory_space<vmem>>
    %dma_start3A_14 = arith.constant 0 : i32
    %dma_start3A_15 = arith.constant 0 : i32
    %dma_start3A_16 = tpu.memref_slice %arg2[%dma_start3A_14, %dma_start3A_15] : memref<1000000x64xf32, #tpu.memory_space<hbm>> -> memref<1000000x64xf32, #tpu.memory_space<hbm>>
    %dma_start3A_17 = tpu.memref_slice %arg7[%dma_start3A_6] : memref<4x!tpu.dma_semaphore, #tpu.memory_space<semaphore_mem>> -> memref<1x!tpu.dma_semaphore, #tpu.memory_space<semaphore_mem>>
    %dma_start3A_18 = tpu.memref_squeeze %dma_start3A_17 : memref<1x!tpu.dma_semaphore, #tpu.memory_space<semaphore_mem>> -> memref<!tpu.dma_semaphore, #tpu.memory_space<semaphore_mem>>
    tpu.enqueue_indirect_dma source(%dma_start3A_16 : memref<1000000x64xf32, #tpu.memory_space<hbm>>) target(%dma_start3A_10 : memref<128x64xf32, #tpu.memory_space<vmem>>) offsets(%dma_start3A_13 : memref<128xi32, #tpu.memory_space<vmem>>) semaphore(%dma_start3A_18 : memref<!tpu.dma_semaphore, #tpu.memory_space<semaphore_mem>>)
    %dma_start3A_19 = arith.constant 1 : i32
    %dma_start3A_20 = arith.constant 0 : i32
    %dma_start3A_21 = arith.constant 0 : i32
    %dma_start3A_22 = arith.constant 128 : i32
    %dma_start3A_23 = arith.constant 0 : i32
    %dma_start3A_24 = tpu.memref_slice %arg6[%dma_start3A_20, %dma_start3A_22, %dma_start3A_23] : memref<4x256x64xf32, #tpu.memory_space<vmem>> -> memref<1x128x64xf32, #tpu.memory_space<vmem>>
    %dma_start3A_25 = tpu.memref_squeeze %dma_start3A_24 : memref<1x128x64xf32, #tpu.memory_space<vmem>> -> memref<128x64xf32, #tpu.memory_space<vmem>>
    %dma_start3A_26 = arith.constant 0 : i32
    %dma_start3A_27 = tpu.memref_slice %arg5[%dma_start3A_19, %dma_start3A_26] : memref<200x128xi32, #tpu.memory_space<vmem>> -> memref<1x128xi32, #tpu.memory_space<vmem>>
    %dma_start3A_28 = tpu.memref_squeeze %dma_start3A_27 : memref<1x128xi32, #tpu.memory_space<vmem>> -> memref<128xi32, #tpu.memory_space<vmem>>
    %dma_start3A_29 = arith.constant 0 : i32
    %dma_start3A_30 = arith.constant 0 : i32
    %dma_start3A_31 = tpu.memref_slice %arg2[%dma_start3A_29, %dma_start3A_30] : memref<1000000x64xf32, #tpu.memory_space<hbm>> -> memref<1000000x64xf32, #tpu.memory_space<hbm>>
    %dma_start3A_32 = tpu.memref_slice %arg7[%dma_start3A_21] : memref<4x!tpu.dma_semaphore, #tpu.memory_space<semaphore_mem>> -> memref<1x!tpu.dma_semaphore, #tpu.memory_space<semaphore_mem>>
    %dma_start3A_33 = tpu.memref_squeeze %dma_start3A_32 : memref<1x!tpu.dma_semaphore, #tpu.memory_space<semaphore_mem>> -> memref<!tpu.dma_semaphore, #tpu.memory_space<semaphore_mem>>
    tpu.enqueue_indirect_dma source(%dma_start3A_31 : memref<1000000x64xf32, #tpu.memory_space<hbm>>) target(%dma_start3A_25 : memref<128x64xf32, #tpu.memory_space<vmem>>) offsets(%dma_start3A_28 : memref<128xi32, #tpu.memory_space<vmem>>) semaphore(%dma_start3A_33 : memref<!tpu.dma_semaphore, #tpu.memory_space<semaphore_mem>>)
    %dma_start3A_34 = arith.constant 2 : i32
    %dma_start3A_35 = arith.constant 1 : i32
    %dma_start3A_36 = arith.constant 1 : i32
    %dma_start3A_37 = arith.constant 0 : i32
    %dma_start3A_38 = arith.constant 0 : i32
    %dma_start3A_39 = tpu.memref_slice %arg6[%dma_start3A_35, %dma_start3A_37, %dma_start3A_38] : memref<4x256x64xf32, #tpu.memory_space<vmem>> -> memref<1x128x64xf32, #tpu.memory_space<vmem>>
    %dma_start3A_40 = tpu.memref_squeeze %dma_start3A_39 : memref<1x128x64xf32, #tpu.memory_space<vmem>> -> memref<128x64xf32, #tpu.memory_space<vmem>>
    %dma_start3A_41 = arith.constant 0 : i32
    %dma_start3A_42 = tpu.memref_slice %arg5[%dma_start3A_34, %dma_start3A_41] : memref<200x128xi32, #tpu.memory_space<vmem>> -> memref<1x128xi32, #tpu.memory_space<vmem>>
    %dma_start3A_43 = tpu.memref_squeeze %dma_start3A_42 : memref<1x128xi32, #tpu.memory_space<vmem>> -> memref<128xi32, #tpu.memory_space<vmem>>
    %dma_start3A_44 = arith.constant 0 : i32
    %dma_start3A_45 = arith.constant 0 : i32
    %dma_start3A_46 = tpu.memref_slice %arg2[%dma_start3A_44, %dma_start3A_45] : memref<1000000x64xf32, #tpu.memory_space<hbm>> -> memref<1000000x64xf32, #tpu.memory_space<hbm>>
    %dma_start3A_47 = tpu.memref_slice %arg7[%dma_start3A_36] : memref<4x!tpu.dma_semaphore, #tpu.memory_space<semaphore_mem>> -> memref<1x!tpu.dma_semaphore, #tpu.memory_space<semaphore_mem>>
    %dma_start3A_48 = tpu.memref_squeeze %dma_start3A_47 : memref<1x!tpu.dma_semaphore, #tpu.memory_space<semaphore_mem>> -> memref<!tpu.dma_semaphore, #tpu.memory_space<semaphore_mem>>
    tpu.enqueue_indirect_dma source(%dma_start3A_46 : memref<1000000x64xf32, #tpu.memory_space<hbm>>) target(%dma_start3A_40 : memref<128x64xf32, #tpu.memory_space<vmem>>) offsets(%dma_start3A_43 : memref<128xi32, #tpu.memory_space<vmem>>) semaphore(%dma_start3A_48 : memref<!tpu.dma_semaphore, #tpu.memory_space<semaphore_mem>>)
    %dma_start3A_49 = arith.constant 3 : i32
    %dma_start3A_50 = arith.constant 1 : i32
    %dma_start3A_51 = arith.constant 1 : i32
    %dma_start3A_52 = arith.constant 128 : i32
    %dma_start3A_53 = arith.constant 0 : i32
    %dma_start3A_54 = tpu.memref_slice %arg6[%dma_start3A_50, %dma_start3A_52, %dma_start3A_53] : memref<4x256x64xf32, #tpu.memory_space<vmem>> -> memref<1x128x64xf32, #tpu.memory_space<vmem>>
    %dma_start3A_55 = tpu.memref_squeeze %dma_start3A_54 : memref<1x128x64xf32, #tpu.memory_space<vmem>> -> memref<128x64xf32, #tpu.memory_space<vmem>>
    %dma_start3A_56 = arith.constant 0 : i32
    %dma_start3A_57 = tpu.memref_slice %arg5[%dma_start3A_49, %dma_start3A_56] : memref<200x128xi32, #tpu.memory_space<vmem>> -> memref<1x128xi32, #tpu.memory_space<vmem>>
    %dma_start3A_58 = tpu.memref_squeeze %dma_start3A_57 : memref<1x128xi32, #tpu.memory_space<vmem>> -> memref<128xi32, #tpu.memory_space<vmem>>
    %dma_start3A_59 = arith.constant 0 : i32
    %dma_start3A_60 = arith.constant 0 : i32
    %dma_start3A_61 = tpu.memref_slice %arg2[%dma_start3A_59, %dma_start3A_60] : memref<1000000x64xf32, #tpu.memory_space<hbm>> -> memref<1000000x64xf32, #tpu.memory_space<hbm>>
    %dma_start3A_62 = tpu.memref_slice %arg7[%dma_start3A_51] : memref<4x!tpu.dma_semaphore, #tpu.memory_space<semaphore_mem>> -> memref<1x!tpu.dma_semaphore, #tpu.memory_space<semaphore_mem>>
    %dma_start3A_63 = tpu.memref_squeeze %dma_start3A_62 : memref<1x!tpu.dma_semaphore, #tpu.memory_space<semaphore_mem>> -> memref<!tpu.dma_semaphore, #tpu.memory_space<semaphore_mem>>
    tpu.enqueue_indirect_dma source(%dma_start3A_61 : memref<1000000x64xf32, #tpu.memory_space<hbm>>) target(%dma_start3A_55 : memref<128x64xf32, #tpu.memory_space<vmem>>) offsets(%dma_start3A_58 : memref<128xi32, #tpu.memory_space<vmem>>) semaphore(%dma_start3A_63 : memref<!tpu.dma_semaphore, #tpu.memory_space<semaphore_mem>>)
    %dma_start3A_64 = arith.constant 4 : i32
    %dma_start3A_65 = arith.constant 2 : i32
    %dma_start3A_66 = arith.constant 2 : i32
    %dma_start3A_67 = arith.constant 0 : i32
    %dma_start3A_68 = arith.constant 0 : i32
    %dma_start3A_69 = tpu.memref_slice %arg6[%dma_start3A_65, %dma_start3A_67, %dma_start3A_68] : memref<4x256x64xf32, #tpu.memory_space<vmem>> -> memref<1x128x64xf32, #tpu.memory_space<vmem>>
    %dma_start3A_70 = tpu.memref_squeeze %dma_start3A_69 : memref<1x128x64xf32, #tpu.memory_space<vmem>> -> memref<128x64xf32, #tpu.memory_space<vmem>>
    %dma_start3A_71 = arith.constant 0 : i32
    %dma_start3A_72 = tpu.memref_slice %arg5[%dma_start3A_64, %dma_start3A_71] : memref<200x128xi32, #tpu.memory_space<vmem>> -> memref<1x128xi32, #tpu.memory_space<vmem>>
    %dma_start3A_73 = tpu.memref_squeeze %dma_start3A_72 : memref<1x128xi32, #tpu.memory_space<vmem>> -> memref<128xi32, #tpu.memory_space<vmem>>
    %dma_start3A_74 = arith.constant 0 : i32
    %dma_start3A_75 = arith.constant 0 : i32
    %dma_start3A_76 = tpu.memref_slice %arg2[%dma_start3A_74, %dma_start3A_75] : memref<1000000x64xf32, #tpu.memory_space<hbm>> -> memref<1000000x64xf32, #tpu.memory_space<hbm>>
    %dma_start3A_77 = tpu.memref_slice %arg7[%dma_start3A_66] : memref<4x!tpu.dma_semaphore, #tpu.memory_space<semaphore_mem>> -> memref<1x!tpu.dma_semaphore, #tpu.memory_space<semaphore_mem>>
    %dma_start3A_78 = tpu.memref_squeeze %dma_start3A_77 : memref<1x!tpu.dma_semaphore, #tpu.memory_space<semaphore_mem>> -> memref<!tpu.dma_semaphore, #tpu.memory_space<semaphore_mem>>
    tpu.enqueue_indirect_dma source(%dma_start3A_76 : memref<1000000x64xf32, #tpu.memory_space<hbm>>) target(%dma_start3A_70 : memref<128x64xf32, #tpu.memory_space<vmem>>) offsets(%dma_start3A_73 : memref<128xi32, #tpu.memory_space<vmem>>) semaphore(%dma_start3A_78 : memref<!tpu.dma_semaphore, #tpu.memory_space<semaphore_mem>>)
    %dma_start3A_79 = arith.constant 5 : i32
    %dma_start3A_80 = arith.constant 2 : i32
    %dma_start3A_81 = arith.constant 2 : i32
    %dma_start3A_82 = arith.constant 128 : i32
    %dma_start3A_83 = arith.constant 0 : i32
    %dma_start3A_84 = tpu.memref_slice %arg6[%dma_start3A_80, %dma_start3A_82, %dma_start3A_83] : memref<4x256x64xf32, #tpu.memory_space<vmem>> -> memref<1x128x64xf32, #tpu.memory_space<vmem>>
    %dma_start3A_85 = tpu.memref_squeeze %dma_start3A_84 : memref<1x128x64xf32, #tpu.memory_space<vmem>> -> memref<128x64xf32, #tpu.memory_space<vmem>>
    %dma_start3A_86 = arith.constant 0 : i32
    %dma_start3A_87 = tpu.memref_slice %arg5[%dma_start3A_79, %dma_start3A_86] : memref<200x128xi32, #tpu.memory_space<vmem>> -> memref<1x128xi32, #tpu.memory_space<vmem>>
    %dma_start3A_88 = tpu.memref_squeeze %dma_start3A_87 : memref<1x128xi32, #tpu.memory_space<vmem>> -> memref<128xi32, #tpu.memory_space<vmem>>
    %dma_start3A_89 = arith.constant 0 : i32
    %dma_start3A_90 = arith.constant 0 : i32
    %dma_start3A_91 = tpu.memref_slice %arg2[%dma_start3A_89, %dma_start3A_90] : memref<1000000x64xf32, #tpu.memory_space<hbm>> -> memref<1000000x64xf32, #tpu.memory_space<hbm>>
    %dma_start3A_92 = tpu.memref_slice %arg7[%dma_start3A_81] : memref<4x!tpu.dma_semaphore, #tpu.memory_space<semaphore_mem>> -> memref<1x!tpu.dma_semaphore, #tpu.memory_space<semaphore_mem>>
    %dma_start3A_93 = tpu.memref_squeeze %dma_start3A_92 : memref<1x!tpu.dma_semaphore, #tpu.memory_space<semaphore_mem>> -> memref<!tpu.dma_semaphore, #tpu.memory_space<semaphore_mem>>
    tpu.enqueue_indirect_dma source(%dma_start3A_91 : memref<1000000x64xf32, #tpu.memory_space<hbm>>) target(%dma_start3A_85 : memref<128x64xf32, #tpu.memory_space<vmem>>) offsets(%dma_start3A_88 : memref<128xi32, #tpu.memory_space<vmem>>) semaphore(%dma_start3A_93 : memref<!tpu.dma_semaphore, #tpu.memory_space<semaphore_mem>>)
    %dma_start3A_94 = arith.constant 6 : i32
    %dma_start3A_95 = arith.constant 3 : i32
    %dma_start3A_96 = arith.constant 3 : i32
    %dma_start3A_97 = arith.constant 0 : i32
    %dma_start3A_98 = arith.constant 0 : i32
    %dma_start3A_99 = tpu.memref_slice %arg6[%dma_start3A_95, %dma_start3A_97, %dma_start3A_98] : memref<4x256x64xf32, #tpu.memory_space<vmem>> -> memref<1x128x64xf32, #tpu.memory_space<vmem>>
    %dma_start3A_100 = tpu.memref_squeeze %dma_start3A_99 : memref<1x128x64xf32, #tpu.memory_space<vmem>> -> memref<128x64xf32, #tpu.memory_space<vmem>>
    %dma_start3A_101 = arith.constant 0 : i32
    %dma_start3A_102 = tpu.memref_slice %arg5[%dma_start3A_94, %dma_start3A_101] : memref<200x128xi32, #tpu.memory_space<vmem>> -> memref<1x128xi32, #tpu.memory_space<vmem>>
    %dma_start3A_103 = tpu.memref_squeeze %dma_start3A_102 : memref<1x128xi32, #tpu.memory_space<vmem>> -> memref<128xi32, #tpu.memory_space<vmem>>
    %dma_start3A_104 = arith.constant 0 : i32
    %dma_start3A_105 = arith.constant 0 : i32
    %dma_start3A_106 = tpu.memref_slice %arg2[%dma_start3A_104, %dma_start3A_105] : memref<1000000x64xf32, #tpu.memory_space<hbm>> -> memref<1000000x64xf32, #tpu.memory_space<hbm>>
    %dma_start3A_107 = tpu.memref_slice %arg7[%dma_start3A_96] : memref<4x!tpu.dma_semaphore, #tpu.memory_space<semaphore_mem>> -> memref<1x!tpu.dma_semaphore, #tpu.memory_space<semaphore_mem>>
    %dma_start3A_108 = tpu.memref_squeeze %dma_start3A_107 : memref<1x!tpu.dma_semaphore, #tpu.memory_space<semaphore_mem>> -> memref<!tpu.dma_semaphore, #tpu.memory_space<semaphore_mem>>
    tpu.enqueue_indirect_dma source(%dma_start3A_106 : memref<1000000x64xf32, #tpu.memory_space<hbm>>) target(%dma_start3A_100 : memref<128x64xf32, #tpu.memory_space<vmem>>) offsets(%dma_start3A_103 : memref<128xi32, #tpu.memory_space<vmem>>) semaphore(%dma_start3A_108 : memref<!tpu.dma_semaphore, #tpu.memory_space<semaphore_mem>>)
    %dma_start3A_109 = arith.constant 7 : i32
    %dma_start3A_110 = arith.constant 3 : i32
    %dma_start3A_111 = arith.constant 3 : i32
    %dma_start3A_112 = arith.constant 128 : i32
    %dma_start3A_113 = arith.constant 0 : i32
    %dma_start3A_114 = tpu.memref_slice %arg6[%dma_start3A_110, %dma_start3A_112, %dma_start3A_113] : memref<4x256x64xf32, #tpu.memory_space<vmem>> -> memref<1x128x64xf32, #tpu.memory_space<vmem>>
    %dma_start3A_115 = tpu.memref_squeeze %dma_start3A_114 : memref<1x128x64xf32, #tpu.memory_space<vmem>> -> memref<128x64xf32, #tpu.memory_space<vmem>>
    %dma_start3A_116 = arith.constant 0 : i32
    %dma_start3A_117 = tpu.memref_slice %arg5[%dma_start3A_109, %dma_start3A_116] : memref<200x128xi32, #tpu.memory_space<vmem>> -> memref<1x128xi32, #tpu.memory_space<vmem>>
    %dma_start3A_118 = tpu.memref_squeeze %dma_start3A_117 : memref<1x128xi32, #tpu.memory_space<vmem>> -> memref<128xi32, #tpu.memory_space<vmem>>
    %dma_start3A_119 = arith.constant 0 : i32
    %dma_start3A_120 = arith.constant 0 : i32
    %dma_start3A_121 = tpu.memref_slice %arg2[%dma_start3A_119, %dma_start3A_120] : memref<1000000x64xf32, #tpu.memory_space<hbm>> -> memref<1000000x64xf32, #tpu.memory_space<hbm>>
    %dma_start3A_122 = tpu.memref_slice %arg7[%dma_start3A_111] : memref<4x!tpu.dma_semaphore, #tpu.memory_space<semaphore_mem>> -> memref<1x!tpu.dma_semaphore, #tpu.memory_space<semaphore_mem>>
    %dma_start3A_123 = tpu.memref_squeeze %dma_start3A_122 : memref<1x!tpu.dma_semaphore, #tpu.memory_space<semaphore_mem>> -> memref<!tpu.dma_semaphore, #tpu.memory_space<semaphore_mem>>
    tpu.enqueue_indirect_dma source(%dma_start3A_121 : memref<1000000x64xf32, #tpu.memory_space<hbm>>) target(%dma_start3A_115 : memref<128x64xf32, #tpu.memory_space<vmem>>) offsets(%dma_start3A_118 : memref<128xi32, #tpu.memory_space<vmem>>) semaphore(%dma_start3A_123 : memref<!tpu.dma_semaphore, #tpu.memory_space<semaphore_mem>>)
    %scan3A = arith.constant 0 : i32
    %scan3A_124 = arith.constant 0 : i32
    %scan3A_125 = arith.constant 24 : i32
    %scan3A_126 = arith.addi %scan3A_124, %scan3A_125 : i32
    %scan3A_127 = arith.constant 1 : i32
    scf.for %scan3A_392 = %scan3A_124 to %scan3A_126 step %scan3A_127  : i32 {
      %mul3A_393 = arith.constant 8 : i32
      %mul3A_394 = arith.muli %scan3A_392, %mul3A_393 : i32
      %add3A_395 = arith.constant 0 : i32
      %add3A_396 = arith.addi %mul3A_394, %add3A_395 : i32
      %add3A_397 = arith.constant 0 : i32
      %add3A_398 = arith.addi %add3A_396, %add3A_397 : i32
      %dma_wait3A_399 = arith.constant 0 : i32
      %dma_wait3A_400 = arith.constant 0 : i32
      %dma_wait3A_401 = arith.constant 0 : i32
      %dma_wait3A_402 = arith.constant 0 : i32
      %dma_wait3A_403 = tpu.memref_slice %arg6[%dma_wait3A_399, %dma_wait3A_401, %dma_wait3A_402] : memref<4x256x64xf32, #tpu.memory_space<vmem>> -> memref<1x128x64xf32, #tpu.memory_space<vmem>>
      %dma_wait3A_404 = tpu.memref_squeeze %dma_wait3A_403 : memref<1x128x64xf32, #tpu.memory_space<vmem>> -> memref<128x64xf32, #tpu.memory_space<vmem>>
      %dma_wait3A_405 = arith.constant 0 : i32
      %dma_wait3A_406 = tpu.memref_slice %arg5[%add3A_398, %dma_wait3A_405] : memref<200x128xi32, #tpu.memory_space<vmem>> -> memref<1x128xi32, #tpu.memory_space<vmem>>
      %dma_wait3A_407 = tpu.memref_squeeze %dma_wait3A_406 : memref<1x128xi32, #tpu.memory_space<vmem>> -> memref<128xi32, #tpu.memory_space<vmem>>
      %dma_wait3A_408 = arith.constant 0 : i32
      %dma_wait3A_409 = arith.constant 0 : i32
      %dma_wait3A_410 = tpu.memref_slice %arg2[%dma_wait3A_408, %dma_wait3A_409] : memref<1000000x64xf32, #tpu.memory_space<hbm>> -> memref<1000000x64xf32, #tpu.memory_space<hbm>>
      %dma_wait3A_411 = tpu.memref_slice %arg7[%dma_wait3A_400] : memref<4x!tpu.dma_semaphore, #tpu.memory_space<semaphore_mem>> -> memref<1x!tpu.dma_semaphore, #tpu.memory_space<semaphore_mem>>
      %dma_wait3A_412 = tpu.memref_squeeze %dma_wait3A_411 : memref<1x!tpu.dma_semaphore, #tpu.memory_space<semaphore_mem>> -> memref<!tpu.dma_semaphore, #tpu.memory_space<semaphore_mem>>
      tpu.wait_indirect_dma semaphore(%dma_wait3A_412 : memref<!tpu.dma_semaphore, #tpu.memory_space<semaphore_mem>>) src(%dma_wait3A_410 : memref<1000000x64xf32, #tpu.memory_space<hbm>>) dst(%dma_wait3A_404 : memref<128x64xf32, #tpu.memory_space<vmem>>)
      %add3A_413 = arith.constant 1 : i32
      %add3A_414 = arith.addi %add3A_396, %add3A_413 : i32
      %dma_wait3A_415 = arith.constant 0 : i32
      %dma_wait3A_416 = arith.constant 0 : i32
      %dma_wait3A_417 = arith.constant 128 : i32
      %dma_wait3A_418 = arith.constant 0 : i32
      %dma_wait3A_419 = tpu.memref_slice %arg6[%dma_wait3A_415, %dma_wait3A_417, %dma_wait3A_418] : memref<4x256x64xf32, #tpu.memory_space<vmem>> -> memref<1x128x64xf32, #tpu.memory_space<vmem>>
      %dma_wait3A_420 = tpu.memref_squeeze %dma_wait3A_419 : memref<1x128x64xf32, #tpu.memory_space<vmem>> -> memref<128x64xf32, #tpu.memory_space<vmem>>
      %dma_wait3A_421 = arith.constant 0 : i32
      %dma_wait3A_422 = tpu.memref_slice %arg5[%add3A_414, %dma_wait3A_421] : memref<200x128xi32, #tpu.memory_space<vmem>> -> memref<1x128xi32, #tpu.memory_space<vmem>>
      %dma_wait3A_423 = tpu.memref_squeeze %dma_wait3A_422 : memref<1x128xi32, #tpu.memory_space<vmem>> -> memref<128xi32, #tpu.memory_space<vmem>>
      %dma_wait3A_424 = arith.constant 0 : i32
      %dma_wait3A_425 = arith.constant 0 : i32
      %dma_wait3A_426 = tpu.memref_slice %arg2[%dma_wait3A_424, %dma_wait3A_425] : memref<1000000x64xf32, #tpu.memory_space<hbm>> -> memref<1000000x64xf32, #tpu.memory_space<hbm>>
      %dma_wait3A_427 = tpu.memref_slice %arg7[%dma_wait3A_416] : memref<4x!tpu.dma_semaphore, #tpu.memory_space<semaphore_mem>> -> memref<1x!tpu.dma_semaphore, #tpu.memory_space<semaphore_mem>>
      %dma_wait3A_428 = tpu.memref_squeeze %dma_wait3A_427 : memref<1x!tpu.dma_semaphore, #tpu.memory_space<semaphore_mem>> -> memref<!tpu.dma_semaphore, #tpu.memory_space<semaphore_mem>>
      tpu.wait_indirect_dma semaphore(%dma_wait3A_428 : memref<!tpu.dma_semaphore, #tpu.memory_space<semaphore_mem>>) src(%dma_wait3A_426 : memref<1000000x64xf32, #tpu.memory_space<hbm>>) dst(%dma_wait3A_420 : memref<128x64xf32, #tpu.memory_space<vmem>>)
      %mul3A_429 = arith.constant 128 : i32
      %mul3A_430 = arith.muli %add3A_396, %mul3A_429 : i32
      %add3A_431 = arith.addi %mul3A_4, %mul3A_430 : i32
      %dma_start3A_432 = arith.constant 0 : i32
      %dma_start3A_433 = arith.constant 0 : i32
      %dma_start3A_434 = arith.constant 0 : i32
      %dma_start3A_435 = arith.constant 0 : i32
      %dma_start3A_436 = tpu.memref_slice %arg6[%dma_start3A_432, %dma_start3A_434, %dma_start3A_435] : memref<4x256x64xf32, #tpu.memory_space<vmem>> -> memref<1x256x64xf32, #tpu.memory_space<vmem>>
      %dma_start3A_437 = tpu.memref_squeeze %dma_start3A_436 : memref<1x256x64xf32, #tpu.memory_space<vmem>> -> memref<256x64xf32, #tpu.memory_space<vmem>>
      %dma_start3A_438 = arith.constant 0 : i32
      %dma_start3A_439 = tpu.memref_slice %arg4[%add3A_431, %dma_start3A_438] : memref<819200x64xf32, #tpu.memory_space<hbm>> -> memref<256x64xf32, #tpu.memory_space<hbm>>
      %dma_start3A_440 = tpu.memref_slice %arg8[%dma_start3A_433] : memref<4x!tpu.dma_semaphore, #tpu.memory_space<semaphore_mem>> -> memref<1x!tpu.dma_semaphore, #tpu.memory_space<semaphore_mem>>
      %dma_start3A_441 = tpu.memref_squeeze %dma_start3A_440 : memref<1x!tpu.dma_semaphore, #tpu.memory_space<semaphore_mem>> -> memref<!tpu.dma_semaphore, #tpu.memory_space<semaphore_mem>>
      %dma_start3A_442 = arith.constant 0 : i32
      %dma_start3A_443 = tpu.memref_slice %arg4[%add3A_431, %dma_start3A_442] : memref<819200x64xf32, #tpu.memory_space<hbm>> -> memref<256x64xf32, #tpu.memory_space<hbm>>
      %dma_start3A_444 = arith.constant 0 : i32
      %dma_start3A_445 = arith.constant 0 : i32
      %dma_start3A_446 = tpu.memref_slice %arg6[%dma_start3A_432, %dma_start3A_444, %dma_start3A_445] : memref<4x256x64xf32, #tpu.memory_space<vmem>> -> memref<1x256x64xf32, #tpu.memory_space<vmem>>
      %dma_start3A_447 = tpu.memref_squeeze %dma_start3A_446 : memref<1x256x64xf32, #tpu.memory_space<vmem>> -> memref<256x64xf32, #tpu.memory_space<vmem>>
      tpu.enqueue_dma source(%dma_start3A_447 : memref<256x64xf32, #tpu.memory_space<vmem>>) target(%dma_start3A_443 : memref<256x64xf32, #tpu.memory_space<hbm>>) target_semaphore(%dma_start3A_441 : memref<!tpu.dma_semaphore, #tpu.memory_space<semaphore_mem>>)
      %mul3A_448 = arith.constant 8 : i32
      %mul3A_449 = arith.muli %scan3A_392, %mul3A_448 : i32
      %add3A_450 = arith.constant 2 : i32
      %add3A_451 = arith.addi %mul3A_449, %add3A_450 : i32
      %add3A_452 = arith.constant 0 : i32
      %add3A_453 = arith.addi %add3A_451, %add3A_452 : i32
      %dma_wait3A_454 = arith.constant 1 : i32
      %dma_wait3A_455 = arith.constant 1 : i32
      %dma_wait3A_456 = arith.constant 0 : i32
      %dma_wait3A_457 = arith.constant 0 : i32
      %dma_wait3A_458 = tpu.memref_slice %arg6[%dma_wait3A_454, %dma_wait3A_456, %dma_wait3A_457] : memref<4x256x64xf32, #tpu.memory_space<vmem>> -> memref<1x128x64xf32, #tpu.memory_space<vmem>>
      %dma_wait3A_459 = tpu.memref_squeeze %dma_wait3A_458 : memref<1x128x64xf32, #tpu.memory_space<vmem>> -> memref<128x64xf32, #tpu.memory_space<vmem>>
      %dma_wait3A_460 = arith.constant 0 : i32
      %dma_wait3A_461 = tpu.memref_slice %arg5[%add3A_453, %dma_wait3A_460] : memref<200x128xi32, #tpu.memory_space<vmem>> -> memref<1x128xi32, #tpu.memory_space<vmem>>
      %dma_wait3A_462 = tpu.memref_squeeze %dma_wait3A_461 : memref<1x128xi32, #tpu.memory_space<vmem>> -> memref<128xi32, #tpu.memory_space<vmem>>
      %dma_wait3A_463 = arith.constant 0 : i32
      %dma_wait3A_464 = arith.constant 0 : i32
      %dma_wait3A_465 = tpu.memref_slice %arg2[%dma_wait3A_463, %dma_wait3A_464] : memref<1000000x64xf32, #tpu.memory_space<hbm>> -> memref<1000000x64xf32, #tpu.memory_space<hbm>>
      %dma_wait3A_466 = tpu.memref_slice %arg7[%dma_wait3A_455] : memref<4x!tpu.dma_semaphore, #tpu.memory_space<semaphore_mem>> -> memref<1x!tpu.dma_semaphore, #tpu.memory_space<semaphore_mem>>
      %dma_wait3A_467 = tpu.memref_squeeze %dma_wait3A_466 : memref<1x!tpu.dma_semaphore, #tpu.memory_space<semaphore_mem>> -> memref<!tpu.dma_semaphore, #tpu.memory_space<semaphore_mem>>
      tpu.wait_indirect_dma semaphore(%dma_wait3A_467 : memref<!tpu.dma_semaphore, #tpu.memory_space<semaphore_mem>>) src(%dma_wait3A_465 : memref<1000000x64xf32, #tpu.memory_space<hbm>>) dst(%dma_wait3A_459 : memref<128x64xf32, #tpu.memory_space<vmem>>)
      %add3A_468 = arith.constant 1 : i32
      %add3A_469 = arith.addi %add3A_451, %add3A_468 : i32
      %dma_wait3A_470 = arith.constant 1 : i32
      %dma_wait3A_471 = arith.constant 1 : i32
      %dma_wait3A_472 = arith.constant 128 : i32
      %dma_wait3A_473 = arith.constant 0 : i32
      %dma_wait3A_474 = tpu.memref_slice %arg6[%dma_wait3A_470, %dma_wait3A_472, %dma_wait3A_473] : memref<4x256x64xf32, #tpu.memory_space<vmem>> -> memref<1x128x64xf32, #tpu.memory_space<vmem>>
      %dma_wait3A_475 = tpu.memref_squeeze %dma_wait3A_474 : memref<1x128x64xf32, #tpu.memory_space<vmem>> -> memref<128x64xf32, #tpu.memory_space<vmem>>
      %dma_wait3A_476 = arith.constant 0 : i32
      %dma_wait3A_477 = tpu.memref_slice %arg5[%add3A_469, %dma_wait3A_476] : memref<200x128xi32, #tpu.memory_space<vmem>> -> memref<1x128xi32, #tpu.memory_space<vmem>>
      %dma_wait3A_478 = tpu.memref_squeeze %dma_wait3A_477 : memref<1x128xi32, #tpu.memory_space<vmem>> -> memref<128xi32, #tpu.memory_space<vmem>>
      %dma_wait3A_479 = arith.constant 0 : i32
      %dma_wait3A_480 = arith.constant 0 : i32
      %dma_wait3A_481 = tpu.memref_slice %arg2[%dma_wait3A_479, %dma_wait3A_480] : memref<1000000x64xf32, #tpu.memory_space<hbm>> -> memref<1000000x64xf32, #tpu.memory_space<hbm>>
      %dma_wait3A_482 = tpu.memref_slice %arg7[%dma_wait3A_471] : memref<4x!tpu.dma_semaphore, #tpu.memory_space<semaphore_mem>> -> memref<1x!tpu.dma_semaphore, #tpu.memory_space<semaphore_mem>>
      %dma_wait3A_483 = tpu.memref_squeeze %dma_wait3A_482 : memref<1x!tpu.dma_semaphore, #tpu.memory_space<semaphore_mem>> -> memref<!tpu.dma_semaphore, #tpu.memory_space<semaphore_mem>>
      tpu.wait_indirect_dma semaphore(%dma_wait3A_483 : memref<!tpu.dma_semaphore, #tpu.memory_space<semaphore_mem>>) src(%dma_wait3A_481 : memref<1000000x64xf32, #tpu.memory_space<hbm>>) dst(%dma_wait3A_475 : memref<128x64xf32, #tpu.memory_space<vmem>>)
      %mul3A_484 = arith.constant 128 : i32
      %mul3A_485 = arith.muli %add3A_451, %mul3A_484 : i32
      %add3A_486 = arith.addi %mul3A_4, %mul3A_485 : i32
      %dma_start3A_487 = arith.constant 1 : i32
      %dma_start3A_488 = arith.constant 1 : i32
      %dma_start3A_489 = arith.constant 0 : i32
      %dma_start3A_490 = arith.constant 0 : i32
      %dma_start3A_491 = tpu.memref_slice %arg6[%dma_start3A_487, %dma_start3A_489, %dma_start3A_490] : memref<4x256x64xf32, #tpu.memory_space<vmem>> -> memref<1x256x64xf32, #tpu.memory_space<vmem>>
      %dma_start3A_492 = tpu.memref_squeeze %dma_start3A_491 : memref<1x256x64xf32, #tpu.memory_space<vmem>> -> memref<256x64xf32, #tpu.memory_space<vmem>>
      %dma_start3A_493 = arith.constant 0 : i32
      %dma_start3A_494 = tpu.memref_slice %arg4[%add3A_486, %dma_start3A_493] : memref<819200x64xf32, #tpu.memory_space<hbm>> -> memref<256x64xf32, #tpu.memory_space<hbm>>
      %dma_start3A_495 = tpu.memref_slice %arg8[%dma_start3A_488] : memref<4x!tpu.dma_semaphore, #tpu.memory_space<semaphore_mem>> -> memref<1x!tpu.dma_semaphore, #tpu.memory_space<semaphore_mem>>
      %dma_start3A_496 = tpu.memref_squeeze %dma_start3A_495 : memref<1x!tpu.dma_semaphore, #tpu.memory_space<semaphore_mem>> -> memref<!tpu.dma_semaphore, #tpu.memory_space<semaphore_mem>>
      %dma_start3A_497 = arith.constant 0 : i32
      %dma_start3A_498 = tpu.memref_slice %arg4[%add3A_486, %dma_start3A_497] : memref<819200x64xf32, #tpu.memory_space<hbm>> -> memref<256x64xf32, #tpu.memory_space<hbm>>
      %dma_start3A_499 = arith.constant 0 : i32
      %dma_start3A_500 = arith.constant 0 : i32
      %dma_start3A_501 = tpu.memref_slice %arg6[%dma_start3A_487, %dma_start3A_499, %dma_start3A_500] : memref<4x256x64xf32, #tpu.memory_space<vmem>> -> memref<1x256x64xf32, #tpu.memory_space<vmem>>
      %dma_start3A_502 = tpu.memref_squeeze %dma_start3A_501 : memref<1x256x64xf32, #tpu.memory_space<vmem>> -> memref<256x64xf32, #tpu.memory_space<vmem>>
      tpu.enqueue_dma source(%dma_start3A_502 : memref<256x64xf32, #tpu.memory_space<vmem>>) target(%dma_start3A_498 : memref<256x64xf32, #tpu.memory_space<hbm>>) target_semaphore(%dma_start3A_496 : memref<!tpu.dma_semaphore, #tpu.memory_space<semaphore_mem>>)
      %mul3A_503 = arith.constant 8 : i32
      %mul3A_504 = arith.muli %scan3A_392, %mul3A_503 : i32
      %add3A_505 = arith.constant 4 : i32
      %add3A_506 = arith.addi %mul3A_504, %add3A_505 : i32
      %add3A_507 = arith.constant 0 : i32
      %add3A_508 = arith.addi %add3A_506, %add3A_507 : i32
      %dma_wait3A_509 = arith.constant 2 : i32
      %dma_wait3A_510 = arith.constant 2 : i32
      %dma_wait3A_511 = arith.constant 0 : i32
      %dma_wait3A_512 = arith.constant 0 : i32
      %dma_wait3A_513 = tpu.memref_slice %arg6[%dma_wait3A_509, %dma_wait3A_511, %dma_wait3A_512] : memref<4x256x64xf32, #tpu.memory_space<vmem>> -> memref<1x128x64xf32, #tpu.memory_space<vmem>>
      %dma_wait3A_514 = tpu.memref_squeeze %dma_wait3A_513 : memref<1x128x64xf32, #tpu.memory_space<vmem>> -> memref<128x64xf32, #tpu.memory_space<vmem>>
      %dma_wait3A_515 = arith.constant 0 : i32
      %dma_wait3A_516 = tpu.memref_slice %arg5[%add3A_508, %dma_wait3A_515] : memref<200x128xi32, #tpu.memory_space<vmem>> -> memref<1x128xi32, #tpu.memory_space<vmem>>
      %dma_wait3A_517 = tpu.memref_squeeze %dma_wait3A_516 : memref<1x128xi32, #tpu.memory_space<vmem>> -> memref<128xi32, #tpu.memory_space<vmem>>
      %dma_wait3A_518 = arith.constant 0 : i32
      %dma_wait3A_519 = arith.constant 0 : i32
      %dma_wait3A_520 = tpu.memref_slice %arg2[%dma_wait3A_518, %dma_wait3A_519] : memref<1000000x64xf32, #tpu.memory_space<hbm>> -> memref<1000000x64xf32, #tpu.memory_space<hbm>>
      %dma_wait3A_521 = tpu.memref_slice %arg7[%dma_wait3A_510] : memref<4x!tpu.dma_semaphore, #tpu.memory_space<semaphore_mem>> -> memref<1x!tpu.dma_semaphore, #tpu.memory_space<semaphore_mem>>
      %dma_wait3A_522 = tpu.memref_squeeze %dma_wait3A_521 : memref<1x!tpu.dma_semaphore, #tpu.memory_space<semaphore_mem>> -> memref<!tpu.dma_semaphore, #tpu.memory_space<semaphore_mem>>
      tpu.wait_indirect_dma semaphore(%dma_wait3A_522 : memref<!tpu.dma_semaphore, #tpu.memory_space<semaphore_mem>>) src(%dma_wait3A_520 : memref<1000000x64xf32, #tpu.memory_space<hbm>>) dst(%dma_wait3A_514 : memref<128x64xf32, #tpu.memory_space<vmem>>)
      %add3A_523 = arith.constant 1 : i32
      %add3A_524 = arith.addi %add3A_506, %add3A_523 : i32
      %dma_wait3A_525 = arith.constant 2 : i32
      %dma_wait3A_526 = arith.constant 2 : i32
      %dma_wait3A_527 = arith.constant 128 : i32
      %dma_wait3A_528 = arith.constant 0 : i32
      %dma_wait3A_529 = tpu.memref_slice %arg6[%dma_wait3A_525, %dma_wait3A_527, %dma_wait3A_528] : memref<4x256x64xf32, #tpu.memory_space<vmem>> -> memref<1x128x64xf32, #tpu.memory_space<vmem>>
      %dma_wait3A_530 = tpu.memref_squeeze %dma_wait3A_529 : memref<1x128x64xf32, #tpu.memory_space<vmem>> -> memref<128x64xf32, #tpu.memory_space<vmem>>
      %dma_wait3A_531 = arith.constant 0 : i32
      %dma_wait3A_532 = tpu.memref_slice %arg5[%add3A_524, %dma_wait3A_531] : memref<200x128xi32, #tpu.memory_space<vmem>> -> memref<1x128xi32, #tpu.memory_space<vmem>>
      %dma_wait3A_533 = tpu.memref_squeeze %dma_wait3A_532 : memref<1x128xi32, #tpu.memory_space<vmem>> -> memref<128xi32, #tpu.memory_space<vmem>>
      %dma_wait3A_534 = arith.constant 0 : i32
      %dma_wait3A_535 = arith.constant 0 : i32
      %dma_wait3A_536 = tpu.memref_slice %arg2[%dma_wait3A_534, %dma_wait3A_535] : memref<1000000x64xf32, #tpu.memory_space<hbm>> -> memref<1000000x64xf32, #tpu.memory_space<hbm>>
      %dma_wait3A_537 = tpu.memref_slice %arg7[%dma_wait3A_526] : memref<4x!tpu.dma_semaphore, #tpu.memory_space<semaphore_mem>> -> memref<1x!tpu.dma_semaphore, #tpu.memory_space<semaphore_mem>>
      %dma_wait3A_538 = tpu.memref_squeeze %dma_wait3A_537 : memref<1x!tpu.dma_semaphore, #tpu.memory_space<semaphore_mem>> -> memref<!tpu.dma_semaphore, #tpu.memory_space<semaphore_mem>>
      tpu.wait_indirect_dma semaphore(%dma_wait3A_538 : memref<!tpu.dma_semaphore, #tpu.memory_space<semaphore_mem>>) src(%dma_wait3A_536 : memref<1000000x64xf32, #tpu.memory_space<hbm>>) dst(%dma_wait3A_530 : memref<128x64xf32, #tpu.memory_space<vmem>>)
      %mul3A_539 = arith.constant 128 : i32
      %mul3A_540 = arith.muli %add3A_506, %mul3A_539 : i32
      %add3A_541 = arith.addi %mul3A_4, %mul3A_540 : i32
      %dma_start3A_542 = arith.constant 2 : i32
      %dma_start3A_543 = arith.constant 2 : i32
      %dma_start3A_544 = arith.constant 0 : i32
      %dma_start3A_545 = arith.constant 0 : i32
      %dma_start3A_546 = tpu.memref_slice %arg6[%dma_start3A_542, %dma_start3A_544, %dma_start3A_545] : memref<4x256x64xf32, #tpu.memory_space<vmem>> -> memref<1x256x64xf32, #tpu.memory_space<vmem>>
      %dma_start3A_547 = tpu.memref_squeeze %dma_start3A_546 : memref<1x256x64xf32, #tpu.memory_space<vmem>> -> memref<256x64xf32, #tpu.memory_space<vmem>>
      %dma_start3A_548 = arith.constant 0 : i32
      %dma_start3A_549 = tpu.memref_slice %arg4[%add3A_541, %dma_start3A_548] : memref<819200x64xf32, #tpu.memory_space<hbm>> -> memref<256x64xf32, #tpu.memory_space<hbm>>
      %dma_start3A_550 = tpu.memref_slice %arg8[%dma_start3A_543] : memref<4x!tpu.dma_semaphore, #tpu.memory_space<semaphore_mem>> -> memref<1x!tpu.dma_semaphore, #tpu.memory_space<semaphore_mem>>
      %dma_start3A_551 = tpu.memref_squeeze %dma_start3A_550 : memref<1x!tpu.dma_semaphore, #tpu.memory_space<semaphore_mem>> -> memref<!tpu.dma_semaphore, #tpu.memory_space<semaphore_mem>>
      %dma_start3A_552 = arith.constant 0 : i32
      %dma_start3A_553 = tpu.memref_slice %arg4[%add3A_541, %dma_start3A_552] : memref<819200x64xf32, #tpu.memory_space<hbm>> -> memref<256x64xf32, #tpu.memory_space<hbm>>
      %dma_start3A_554 = arith.constant 0 : i32
      %dma_start3A_555 = arith.constant 0 : i32
      %dma_start3A_556 = tpu.memref_slice %arg6[%dma_start3A_542, %dma_start3A_554, %dma_start3A_555] : memref<4x256x64xf32, #tpu.memory_space<vmem>> -> memref<1x256x64xf32, #tpu.memory_space<vmem>>
      %dma_start3A_557 = tpu.memref_squeeze %dma_start3A_556 : memref<1x256x64xf32, #tpu.memory_space<vmem>> -> memref<256x64xf32, #tpu.memory_space<vmem>>
      tpu.enqueue_dma source(%dma_start3A_557 : memref<256x64xf32, #tpu.memory_space<vmem>>) target(%dma_start3A_553 : memref<256x64xf32, #tpu.memory_space<hbm>>) target_semaphore(%dma_start3A_551 : memref<!tpu.dma_semaphore, #tpu.memory_space<semaphore_mem>>)
      %mul3A_558 = arith.constant 8 : i32
      %mul3A_559 = arith.muli %scan3A_392, %mul3A_558 : i32
      %add3A_560 = arith.constant 6 : i32
      %add3A_561 = arith.addi %mul3A_559, %add3A_560 : i32
      %add3A_562 = arith.constant 0 : i32
      %add3A_563 = arith.addi %add3A_561, %add3A_562 : i32
      %dma_wait3A_564 = arith.constant 3 : i32
      %dma_wait3A_565 = arith.constant 3 : i32
      %dma_wait3A_566 = arith.constant 0 : i32
      %dma_wait3A_567 = arith.constant 0 : i32
      %dma_wait3A_568 = tpu.memref_slice %arg6[%dma_wait3A_564, %dma_wait3A_566, %dma_wait3A_567] : memref<4x256x64xf32, #tpu.memory_space<vmem>> -> memref<1x128x64xf32, #tpu.memory_space<vmem>>
      %dma_wait3A_569 = tpu.memref_squeeze %dma_wait3A_568 : memref<1x128x64xf32, #tpu.memory_space<vmem>> -> memref<128x64xf32, #tpu.memory_space<vmem>>
      %dma_wait3A_570 = arith.constant 0 : i32
      %dma_wait3A_571 = tpu.memref_slice %arg5[%add3A_563, %dma_wait3A_570] : memref<200x128xi32, #tpu.memory_space<vmem>> -> memref<1x128xi32, #tpu.memory_space<vmem>>
      %dma_wait3A_572 = tpu.memref_squeeze %dma_wait3A_571 : memref<1x128xi32, #tpu.memory_space<vmem>> -> memref<128xi32, #tpu.memory_space<vmem>>
      %dma_wait3A_573 = arith.constant 0 : i32
      %dma_wait3A_574 = arith.constant 0 : i32
      %dma_wait3A_575 = tpu.memref_slice %arg2[%dma_wait3A_573, %dma_wait3A_574] : memref<1000000x64xf32, #tpu.memory_space<hbm>> -> memref<1000000x64xf32, #tpu.memory_space<hbm>>
      %dma_wait3A_576 = tpu.memref_slice %arg7[%dma_wait3A_565] : memref<4x!tpu.dma_semaphore, #tpu.memory_space<semaphore_mem>> -> memref<1x!tpu.dma_semaphore, #tpu.memory_space<semaphore_mem>>
      %dma_wait3A_577 = tpu.memref_squeeze %dma_wait3A_576 : memref<1x!tpu.dma_semaphore, #tpu.memory_space<semaphore_mem>> -> memref<!tpu.dma_semaphore, #tpu.memory_space<semaphore_mem>>
      tpu.wait_indirect_dma semaphore(%dma_wait3A_577 : memref<!tpu.dma_semaphore, #tpu.memory_space<semaphore_mem>>) src(%dma_wait3A_575 : memref<1000000x64xf32, #tpu.memory_space<hbm>>) dst(%dma_wait3A_569 : memref<128x64xf32, #tpu.memory_space<vmem>>)
      %add3A_578 = arith.constant 1 : i32
      %add3A_579 = arith.addi %add3A_561, %add3A_578 : i32
      %dma_wait3A_580 = arith.constant 3 : i32
      %dma_wait3A_581 = arith.constant 3 : i32
      %dma_wait3A_582 = arith.constant 128 : i32
      %dma_wait3A_583 = arith.constant 0 : i32
      %dma_wait3A_584 = tpu.memref_slice %arg6[%dma_wait3A_580, %dma_wait3A_582, %dma_wait3A_583] : memref<4x256x64xf32, #tpu.memory_space<vmem>> -> memref<1x128x64xf32, #tpu.memory_space<vmem>>
      %dma_wait3A_585 = tpu.memref_squeeze %dma_wait3A_584 : memref<1x128x64xf32, #tpu.memory_space<vmem>> -> memref<128x64xf32, #tpu.memory_space<vmem>>
      %dma_wait3A_586 = arith.constant 0 : i32
      %dma_wait3A_587 = tpu.memref_slice %arg5[%add3A_579, %dma_wait3A_586] : memref<200x128xi32, #tpu.memory_space<vmem>> -> memref<1x128xi32, #tpu.memory_space<vmem>>
      %dma_wait3A_588 = tpu.memref_squeeze %dma_wait3A_587 : memref<1x128xi32, #tpu.memory_space<vmem>> -> memref<128xi32, #tpu.memory_space<vmem>>
      %dma_wait3A_589 = arith.constant 0 : i32
      %dma_wait3A_590 = arith.constant 0 : i32
      %dma_wait3A_591 = tpu.memref_slice %arg2[%dma_wait3A_589, %dma_wait3A_590] : memref<1000000x64xf32, #tpu.memory_space<hbm>> -> memref<1000000x64xf32, #tpu.memory_space<hbm>>
      %dma_wait3A_592 = tpu.memref_slice %arg7[%dma_wait3A_581] : memref<4x!tpu.dma_semaphore, #tpu.memory_space<semaphore_mem>> -> memref<1x!tpu.dma_semaphore, #tpu.memory_space<semaphore_mem>>
      %dma_wait3A_593 = tpu.memref_squeeze %dma_wait3A_592 : memref<1x!tpu.dma_semaphore, #tpu.memory_space<semaphore_mem>> -> memref<!tpu.dma_semaphore, #tpu.memory_space<semaphore_mem>>
      tpu.wait_indirect_dma semaphore(%dma_wait3A_593 : memref<!tpu.dma_semaphore, #tpu.memory_space<semaphore_mem>>) src(%dma_wait3A_591 : memref<1000000x64xf32, #tpu.memory_space<hbm>>) dst(%dma_wait3A_585 : memref<128x64xf32, #tpu.memory_space<vmem>>)
      %mul3A_594 = arith.constant 128 : i32
      %mul3A_595 = arith.muli %add3A_561, %mul3A_594 : i32
      %add3A_596 = arith.addi %mul3A_4, %mul3A_595 : i32
      %dma_start3A_597 = arith.constant 3 : i32
      %dma_start3A_598 = arith.constant 3 : i32
      %dma_start3A_599 = arith.constant 0 : i32
      %dma_start3A_600 = arith.constant 0 : i32
      %dma_start3A_601 = tpu.memref_slice %arg6[%dma_start3A_597, %dma_start3A_599, %dma_start3A_600] : memref<4x256x64xf32, #tpu.memory_space<vmem>> -> memref<1x256x64xf32, #tpu.memory_space<vmem>>
      %dma_start3A_602 = tpu.memref_squeeze %dma_start3A_601 : memref<1x256x64xf32, #tpu.memory_space<vmem>> -> memref<256x64xf32, #tpu.memory_space<vmem>>
      %dma_start3A_603 = arith.constant 0 : i32
      %dma_start3A_604 = tpu.memref_slice %arg4[%add3A_596, %dma_start3A_603] : memref<819200x64xf32, #tpu.memory_space<hbm>> -> memref<256x64xf32, #tpu.memory_space<hbm>>
      %dma_start3A_605 = tpu.memref_slice %arg8[%dma_start3A_598] : memref<4x!tpu.dma_semaphore, #tpu.memory_space<semaphore_mem>> -> memref<1x!tpu.dma_semaphore, #tpu.memory_space<semaphore_mem>>
      %dma_start3A_606 = tpu.memref_squeeze %dma_start3A_605 : memref<1x!tpu.dma_semaphore, #tpu.memory_space<semaphore_mem>> -> memref<!tpu.dma_semaphore, #tpu.memory_space<semaphore_mem>>
      %dma_start3A_607 = arith.constant 0 : i32
      %dma_start3A_608 = tpu.memref_slice %arg4[%add3A_596, %dma_start3A_607] : memref<819200x64xf32, #tpu.memory_space<hbm>> -> memref<256x64xf32, #tpu.memory_space<hbm>>
      %dma_start3A_609 = arith.constant 0 : i32
      %dma_start3A_610 = arith.constant 0 : i32
      %dma_start3A_611 = tpu.memref_slice %arg6[%dma_start3A_597, %dma_start3A_609, %dma_start3A_610] : memref<4x256x64xf32, #tpu.memory_space<vmem>> -> memref<1x256x64xf32, #tpu.memory_space<vmem>>
      %dma_start3A_612 = tpu.memref_squeeze %dma_start3A_611 : memref<1x256x64xf32, #tpu.memory_space<vmem>> -> memref<256x64xf32, #tpu.memory_space<vmem>>
      tpu.enqueue_dma source(%dma_start3A_612 : memref<256x64xf32, #tpu.memory_space<vmem>>) target(%dma_start3A_608 : memref<256x64xf32, #tpu.memory_space<hbm>>) target_semaphore(%dma_start3A_606 : memref<!tpu.dma_semaphore, #tpu.memory_space<semaphore_mem>>)
      %mul3A_613 = arith.constant 8 : i32
      %mul3A_614 = arith.muli %scan3A_392, %mul3A_613 : i32
      %add3A_615 = arith.constant 0 : i32
      %add3A_616 = arith.addi %mul3A_614, %add3A_615 : i32
      %mul3A_617 = arith.constant 128 : i32
      %mul3A_618 = arith.muli %add3A_616, %mul3A_617 : i32
      %add3A_619 = arith.addi %mul3A_4, %mul3A_618 : i32
      %dma_wait3A_620 = arith.constant 0 : i32
      %dma_wait3A_621 = arith.constant 0 : i32
      %dma_wait3A_622 = arith.constant 0 : i32
      %dma_wait3A_623 = arith.constant 0 : i32
      %dma_wait3A_624 = tpu.memref_slice %arg6[%dma_wait3A_620, %dma_wait3A_622, %dma_wait3A_623] : memref<4x256x64xf32, #tpu.memory_space<vmem>> -> memref<1x256x64xf32, #tpu.memory_space<vmem>>
      %dma_wait3A_625 = tpu.memref_squeeze %dma_wait3A_624 : memref<1x256x64xf32, #tpu.memory_space<vmem>> -> memref<256x64xf32, #tpu.memory_space<vmem>>
      %dma_wait3A_626 = arith.constant 0 : i32
      %dma_wait3A_627 = tpu.memref_slice %arg4[%add3A_619, %dma_wait3A_626] : memref<819200x64xf32, #tpu.memory_space<hbm>> -> memref<256x64xf32, #tpu.memory_space<hbm>>
      %dma_wait3A_628 = tpu.memref_slice %arg8[%dma_wait3A_621] : memref<4x!tpu.dma_semaphore, #tpu.memory_space<semaphore_mem>> -> memref<1x!tpu.dma_semaphore, #tpu.memory_space<semaphore_mem>>
      %dma_wait3A_629 = tpu.memref_squeeze %dma_wait3A_628 : memref<1x!tpu.dma_semaphore, #tpu.memory_space<semaphore_mem>> -> memref<!tpu.dma_semaphore, #tpu.memory_space<semaphore_mem>>
      %dma_wait3A_630 = arith.constant 0 : i32
      %dma_wait3A_631 = tpu.memref_slice %arg4[%add3A_619, %dma_wait3A_630] : memref<819200x64xf32, #tpu.memory_space<hbm>> -> memref<256x64xf32, #tpu.memory_space<hbm>>
      %dma_wait3A_632 = arith.constant 0 : i32
      %dma_wait3A_633 = arith.constant 0 : i32
      %dma_wait3A_634 = tpu.memref_slice %arg6[%dma_wait3A_620, %dma_wait3A_632, %dma_wait3A_633] : memref<4x256x64xf32, #tpu.memory_space<vmem>> -> memref<1x256x64xf32, #tpu.memory_space<vmem>>
      %dma_wait3A_635 = tpu.memref_squeeze %dma_wait3A_634 : memref<1x256x64xf32, #tpu.memory_space<vmem>> -> memref<256x64xf32, #tpu.memory_space<vmem>>
      tpu.wait_dma2 semaphore(%dma_wait3A_629 : memref<!tpu.dma_semaphore, #tpu.memory_space<semaphore_mem>>) src(%dma_wait3A_635 : memref<256x64xf32, #tpu.memory_space<vmem>>) dst(%dma_wait3A_631 : memref<256x64xf32, #tpu.memory_space<hbm>>)
      %add3A_636 = arith.constant 8 : i32
      %add3A_637 = arith.addi %add3A_616, %add3A_636 : i32
      %add3A_638 = arith.constant 0 : i32
      %add3A_639 = arith.addi %add3A_637, %add3A_638 : i32
      %dma_start3A_640 = arith.constant 0 : i32
      %dma_start3A_641 = arith.constant 0 : i32
      %dma_start3A_642 = arith.constant 0 : i32
      %dma_start3A_643 = arith.constant 0 : i32
      %dma_start3A_644 = tpu.memref_slice %arg6[%dma_start3A_640, %dma_start3A_642, %dma_start3A_643] : memref<4x256x64xf32, #tpu.memory_space<vmem>> -> memref<1x128x64xf32, #tpu.memory_space<vmem>>
      %dma_start3A_645 = tpu.memref_squeeze %dma_start3A_644 : memref<1x128x64xf32, #tpu.memory_space<vmem>> -> memref<128x64xf32, #tpu.memory_space<vmem>>
      %dma_start3A_646 = arith.constant 0 : i32
      %dma_start3A_647 = tpu.memref_slice %arg5[%add3A_639, %dma_start3A_646] : memref<200x128xi32, #tpu.memory_space<vmem>> -> memref<1x128xi32, #tpu.memory_space<vmem>>
      %dma_start3A_648 = tpu.memref_squeeze %dma_start3A_647 : memref<1x128xi32, #tpu.memory_space<vmem>> -> memref<128xi32, #tpu.memory_space<vmem>>
      %dma_start3A_649 = arith.constant 0 : i32
      %dma_start3A_650 = arith.constant 0 : i32
      %dma_start3A_651 = tpu.memref_slice %arg2[%dma_start3A_649, %dma_start3A_650] : memref<1000000x64xf32, #tpu.memory_space<hbm>> -> memref<1000000x64xf32, #tpu.memory_space<hbm>>
      %dma_start3A_652 = tpu.memref_slice %arg7[%dma_start3A_641] : memref<4x!tpu.dma_semaphore, #tpu.memory_space<semaphore_mem>> -> memref<1x!tpu.dma_semaphore, #tpu.memory_space<semaphore_mem>>
      %dma_start3A_653 = tpu.memref_squeeze %dma_start3A_652 : memref<1x!tpu.dma_semaphore, #tpu.memory_space<semaphore_mem>> -> memref<!tpu.dma_semaphore, #tpu.memory_space<semaphore_mem>>
      tpu.enqueue_indirect_dma source(%dma_start3A_651 : memref<1000000x64xf32, #tpu.memory_space<hbm>>) target(%dma_start3A_645 : memref<128x64xf32, #tpu.memory_space<vmem>>) offsets(%dma_start3A_648 : memref<128xi32, #tpu.memory_space<vmem>>) semaphore(%dma_start3A_653 : memref<!tpu.dma_semaphore, #tpu.memory_space<semaphore_mem>>)
      %add3A_654 = arith.constant 8 : i32
      %add3A_655 = arith.addi %add3A_616, %add3A_654 : i32
      %add3A_656 = arith.constant 1 : i32
      %add3A_657 = arith.addi %add3A_655, %add3A_656 : i32
      %dma_start3A_658 = arith.constant 0 : i32
      %dma_start3A_659 = arith.constant 0 : i32
      %dma_start3A_660 = arith.constant 128 : i32
      %dma_start3A_661 = arith.constant 0 : i32
      %dma_start3A_662 = tpu.memref_slice %arg6[%dma_start3A_658, %dma_start3A_660, %dma_start3A_661] : memref<4x256x64xf32, #tpu.memory_space<vmem>> -> memref<1x128x64xf32, #tpu.memory_space<vmem>>
      %dma_start3A_663 = tpu.memref_squeeze %dma_start3A_662 : memref<1x128x64xf32, #tpu.memory_space<vmem>> -> memref<128x64xf32, #tpu.memory_space<vmem>>
      %dma_start3A_664 = arith.constant 0 : i32
      %dma_start3A_665 = tpu.memref_slice %arg5[%add3A_657, %dma_start3A_664] : memref<200x128xi32, #tpu.memory_space<vmem>> -> memref<1x128xi32, #tpu.memory_space<vmem>>
      %dma_start3A_666 = tpu.memref_squeeze %dma_start3A_665 : memref<1x128xi32, #tpu.memory_space<vmem>> -> memref<128xi32, #tpu.memory_space<vmem>>
      %dma_start3A_667 = arith.constant 0 : i32
      %dma_start3A_668 = arith.constant 0 : i32
      %dma_start3A_669 = tpu.memref_slice %arg2[%dma_start3A_667, %dma_start3A_668] : memref<1000000x64xf32, #tpu.memory_space<hbm>> -> memref<1000000x64xf32, #tpu.memory_space<hbm>>
      %dma_start3A_670 = tpu.memref_slice %arg7[%dma_start3A_659] : memref<4x!tpu.dma_semaphore, #tpu.memory_space<semaphore_mem>> -> memref<1x!tpu.dma_semaphore, #tpu.memory_space<semaphore_mem>>
      %dma_start3A_671 = tpu.memref_squeeze %dma_start3A_670 : memref<1x!tpu.dma_semaphore, #tpu.memory_space<semaphore_mem>> -> memref<!tpu.dma_semaphore, #tpu.memory_space<semaphore_mem>>
      tpu.enqueue_indirect_dma source(%dma_start3A_669 : memref<1000000x64xf32, #tpu.memory_space<hbm>>) target(%dma_start3A_663 : memref<128x64xf32, #tpu.memory_space<vmem>>) offsets(%dma_start3A_666 : memref<128xi32, #tpu.memory_space<vmem>>) semaphore(%dma_start3A_671 : memref<!tpu.dma_semaphore, #tpu.memory_space<semaphore_mem>>)
      %mul3A_672 = arith.constant 8 : i32
      %mul3A_673 = arith.muli %scan3A_392, %mul3A_672 : i32
      %add3A_674 = arith.constant 2 : i32
      %add3A_675 = arith.addi %mul3A_673, %add3A_674 : i32
      %mul3A_676 = arith.constant 128 : i32
      %mul3A_677 = arith.muli %add3A_675, %mul3A_676 : i32
      %add3A_678 = arith.addi %mul3A_4, %mul3A_677 : i32
      %dma_wait3A_679 = arith.constant 1 : i32
      %dma_wait3A_680 = arith.constant 1 : i32
      %dma_wait3A_681 = arith.constant 0 : i32
      %dma_wait3A_682 = arith.constant 0 : i32
      %dma_wait3A_683 = tpu.memref_slice %arg6[%dma_wait3A_679, %dma_wait3A_681, %dma_wait3A_682] : memref<4x256x64xf32, #tpu.memory_space<vmem>> -> memref<1x256x64xf32, #tpu.memory_space<vmem>>
      %dma_wait3A_684 = tpu.memref_squeeze %dma_wait3A_683 : memref<1x256x64xf32, #tpu.memory_space<vmem>> -> memref<256x64xf32, #tpu.memory_space<vmem>>
      %dma_wait3A_685 = arith.constant 0 : i32
      %dma_wait3A_686 = tpu.memref_slice %arg4[%add3A_678, %dma_wait3A_685] : memref<819200x64xf32, #tpu.memory_space<hbm>> -> memref<256x64xf32, #tpu.memory_space<hbm>>
      %dma_wait3A_687 = tpu.memref_slice %arg8[%dma_wait3A_680] : memref<4x!tpu.dma_semaphore, #tpu.memory_space<semaphore_mem>> -> memref<1x!tpu.dma_semaphore, #tpu.memory_space<semaphore_mem>>
      %dma_wait3A_688 = tpu.memref_squeeze %dma_wait3A_687 : memref<1x!tpu.dma_semaphore, #tpu.memory_space<semaphore_mem>> -> memref<!tpu.dma_semaphore, #tpu.memory_space<semaphore_mem>>
      %dma_wait3A_689 = arith.constant 0 : i32
      %dma_wait3A_690 = tpu.memref_slice %arg4[%add3A_678, %dma_wait3A_689] : memref<819200x64xf32, #tpu.memory_space<hbm>> -> memref<256x64xf32, #tpu.memory_space<hbm>>
      %dma_wait3A_691 = arith.constant 0 : i32
      %dma_wait3A_692 = arith.constant 0 : i32
      %dma_wait3A_693 = tpu.memref_slice %arg6[%dma_wait3A_679, %dma_wait3A_691, %dma_wait3A_692] : memref<4x256x64xf32, #tpu.memory_space<vmem>> -> memref<1x256x64xf32, #tpu.memory_space<vmem>>
      %dma_wait3A_694 = tpu.memref_squeeze %dma_wait3A_693 : memref<1x256x64xf32, #tpu.memory_space<vmem>> -> memref<256x64xf32, #tpu.memory_space<vmem>>
      tpu.wait_dma2 semaphore(%dma_wait3A_688 : memref<!tpu.dma_semaphore, #tpu.memory_space<semaphore_mem>>) src(%dma_wait3A_694 : memref<256x64xf32, #tpu.memory_space<vmem>>) dst(%dma_wait3A_690 : memref<256x64xf32, #tpu.memory_space<hbm>>)
      %add3A_695 = arith.constant 8 : i32
      %add3A_696 = arith.addi %add3A_675, %add3A_695 : i32
      %add3A_697 = arith.constant 0 : i32
      %add3A_698 = arith.addi %add3A_696, %add3A_697 : i32
      %dma_start3A_699 = arith.constant 1 : i32
      %dma_start3A_700 = arith.constant 1 : i32
      %dma_start3A_701 = arith.constant 0 : i32
      %dma_start3A_702 = arith.constant 0 : i32
      %dma_start3A_703 = tpu.memref_slice %arg6[%dma_start3A_699, %dma_start3A_701, %dma_start3A_702] : memref<4x256x64xf32, #tpu.memory_space<vmem>> -> memref<1x128x64xf32, #tpu.memory_space<vmem>>
      %dma_start3A_704 = tpu.memref_squeeze %dma_start3A_703 : memref<1x128x64xf32, #tpu.memory_space<vmem>> -> memref<128x64xf32, #tpu.memory_space<vmem>>
      %dma_start3A_705 = arith.constant 0 : i32
      %dma_start3A_706 = tpu.memref_slice %arg5[%add3A_698, %dma_start3A_705] : memref<200x128xi32, #tpu.memory_space<vmem>> -> memref<1x128xi32, #tpu.memory_space<vmem>>
      %dma_start3A_707 = tpu.memref_squeeze %dma_start3A_706 : memref<1x128xi32, #tpu.memory_space<vmem>> -> memref<128xi32, #tpu.memory_space<vmem>>
      %dma_start3A_708 = arith.constant 0 : i32
      %dma_start3A_709 = arith.constant 0 : i32
      %dma_start3A_710 = tpu.memref_slice %arg2[%dma_start3A_708, %dma_start3A_709] : memref<1000000x64xf32, #tpu.memory_space<hbm>> -> memref<1000000x64xf32, #tpu.memory_space<hbm>>
      %dma_start3A_711 = tpu.memref_slice %arg7[%dma_start3A_700] : memref<4x!tpu.dma_semaphore, #tpu.memory_space<semaphore_mem>> -> memref<1x!tpu.dma_semaphore, #tpu.memory_space<semaphore_mem>>
      %dma_start3A_712 = tpu.memref_squeeze %dma_start3A_711 : memref<1x!tpu.dma_semaphore, #tpu.memory_space<semaphore_mem>> -> memref<!tpu.dma_semaphore, #tpu.memory_space<semaphore_mem>>
      tpu.enqueue_indirect_dma source(%dma_start3A_710 : memref<1000000x64xf32, #tpu.memory_space<hbm>>) target(%dma_start3A_704 : memref<128x64xf32, #tpu.memory_space<vmem>>) offsets(%dma_start3A_707 : memref<128xi32, #tpu.memory_space<vmem>>) semaphore(%dma_start3A_712 : memref<!tpu.dma_semaphore, #tpu.memory_space<semaphore_mem>>)
      %add3A_713 = arith.constant 8 : i32
      %add3A_714 = arith.addi %add3A_675, %add3A_713 : i32
      %add3A_715 = arith.constant 1 : i32
      %add3A_716 = arith.addi %add3A_714, %add3A_715 : i32
      %dma_start3A_717 = arith.constant 1 : i32
      %dma_start3A_718 = arith.constant 1 : i32
      %dma_start3A_719 = arith.constant 128 : i32
      %dma_start3A_720 = arith.constant 0 : i32
      %dma_start3A_721 = tpu.memref_slice %arg6[%dma_start3A_717, %dma_start3A_719, %dma_start3A_720] : memref<4x256x64xf32, #tpu.memory_space<vmem>> -> memref<1x128x64xf32, #tpu.memory_space<vmem>>
      %dma_start3A_722 = tpu.memref_squeeze %dma_start3A_721 : memref<1x128x64xf32, #tpu.memory_space<vmem>> -> memref<128x64xf32, #tpu.memory_space<vmem>>
      %dma_start3A_723 = arith.constant 0 : i32
      %dma_start3A_724 = tpu.memref_slice %arg5[%add3A_716, %dma_start3A_723] : memref<200x128xi32, #tpu.memory_space<vmem>> -> memref<1x128xi32, #tpu.memory_space<vmem>>
      %dma_start3A_725 = tpu.memref_squeeze %dma_start3A_724 : memref<1x128xi32, #tpu.memory_space<vmem>> -> memref<128xi32, #tpu.memory_space<vmem>>
      %dma_start3A_726 = arith.constant 0 : i32
      %dma_start3A_727 = arith.constant 0 : i32
      %dma_start3A_728 = tpu.memref_slice %arg2[%dma_start3A_726, %dma_start3A_727] : memref<1000000x64xf32, #tpu.memory_space<hbm>> -> memref<1000000x64xf32, #tpu.memory_space<hbm>>
      %dma_start3A_729 = tpu.memref_slice %arg7[%dma_start3A_718] : memref<4x!tpu.dma_semaphore, #tpu.memory_space<semaphore_mem>> -> memref<1x!tpu.dma_semaphore, #tpu.memory_space<semaphore_mem>>
      %dma_start3A_730 = tpu.memref_squeeze %dma_start3A_729 : memref<1x!tpu.dma_semaphore, #tpu.memory_space<semaphore_mem>> -> memref<!tpu.dma_semaphore, #tpu.memory_space<semaphore_mem>>
      tpu.enqueue_indirect_dma source(%dma_start3A_728 : memref<1000000x64xf32, #tpu.memory_space<hbm>>) target(%dma_start3A_722 : memref<128x64xf32, #tpu.memory_space<vmem>>) offsets(%dma_start3A_725 : memref<128xi32, #tpu.memory_space<vmem>>) semaphore(%dma_start3A_730 : memref<!tpu.dma_semaphore, #tpu.memory_space<semaphore_mem>>)
      %mul3A_731 = arith.constant 8 : i32
      %mul3A_732 = arith.muli %scan3A_392, %mul3A_731 : i32
      %add3A_733 = arith.constant 4 : i32
      %add3A_734 = arith.addi %mul3A_732, %add3A_733 : i32
      %mul3A_735 = arith.constant 128 : i32
      %mul3A_736 = arith.muli %add3A_734, %mul3A_735 : i32
      %add3A_737 = arith.addi %mul3A_4, %mul3A_736 : i32
      %dma_wait3A_738 = arith.constant 2 : i32
      %dma_wait3A_739 = arith.constant 2 : i32
      %dma_wait3A_740 = arith.constant 0 : i32
      %dma_wait3A_741 = arith.constant 0 : i32
      %dma_wait3A_742 = tpu.memref_slice %arg6[%dma_wait3A_738, %dma_wait3A_740, %dma_wait3A_741] : memref<4x256x64xf32, #tpu.memory_space<vmem>> -> memref<1x256x64xf32, #tpu.memory_space<vmem>>
      %dma_wait3A_743 = tpu.memref_squeeze %dma_wait3A_742 : memref<1x256x64xf32, #tpu.memory_space<vmem>> -> memref<256x64xf32, #tpu.memory_space<vmem>>
      %dma_wait3A_744 = arith.constant 0 : i32
      %dma_wait3A_745 = tpu.memref_slice %arg4[%add3A_737, %dma_wait3A_744] : memref<819200x64xf32, #tpu.memory_space<hbm>> -> memref<256x64xf32, #tpu.memory_space<hbm>>
      %dma_wait3A_746 = tpu.memref_slice %arg8[%dma_wait3A_739] : memref<4x!tpu.dma_semaphore, #tpu.memory_space<semaphore_mem>> -> memref<1x!tpu.dma_semaphore, #tpu.memory_space<semaphore_mem>>
      %dma_wait3A_747 = tpu.memref_squeeze %dma_wait3A_746 : memref<1x!tpu.dma_semaphore, #tpu.memory_space<semaphore_mem>> -> memref<!tpu.dma_semaphore, #tpu.memory_space<semaphore_mem>>
      %dma_wait3A_748 = arith.constant 0 : i32
      %dma_wait3A_749 = tpu.memref_slice %arg4[%add3A_737, %dma_wait3A_748] : memref<819200x64xf32, #tpu.memory_space<hbm>> -> memref<256x64xf32, #tpu.memory_space<hbm>>
      %dma_wait3A_750 = arith.constant 0 : i32
      %dma_wait3A_751 = arith.constant 0 : i32
      %dma_wait3A_752 = tpu.memref_slice %arg6[%dma_wait3A_738, %dma_wait3A_750, %dma_wait3A_751] : memref<4x256x64xf32, #tpu.memory_space<vmem>> -> memref<1x256x64xf32, #tpu.memory_space<vmem>>
      %dma_wait3A_753 = tpu.memref_squeeze %dma_wait3A_752 : memref<1x256x64xf32, #tpu.memory_space<vmem>> -> memref<256x64xf32, #tpu.memory_space<vmem>>
      tpu.wait_dma2 semaphore(%dma_wait3A_747 : memref<!tpu.dma_semaphore, #tpu.memory_space<semaphore_mem>>) src(%dma_wait3A_753 : memref<256x64xf32, #tpu.memory_space<vmem>>) dst(%dma_wait3A_749 : memref<256x64xf32, #tpu.memory_space<hbm>>)
      %add3A_754 = arith.constant 8 : i32
      %add3A_755 = arith.addi %add3A_734, %add3A_754 : i32
      %add3A_756 = arith.constant 0 : i32
      %add3A_757 = arith.addi %add3A_755, %add3A_756 : i32
      %dma_start3A_758 = arith.constant 2 : i32
      %dma_start3A_759 = arith.constant 2 : i32
      %dma_start3A_760 = arith.constant 0 : i32
      %dma_start3A_761 = arith.constant 0 : i32
      %dma_start3A_762 = tpu.memref_slice %arg6[%dma_start3A_758, %dma_start3A_760, %dma_start3A_761] : memref<4x256x64xf32, #tpu.memory_space<vmem>> -> memref<1x128x64xf32, #tpu.memory_space<vmem>>
      %dma_start3A_763 = tpu.memref_squeeze %dma_start3A_762 : memref<1x128x64xf32, #tpu.memory_space<vmem>> -> memref<128x64xf32, #tpu.memory_space<vmem>>
      %dma_start3A_764 = arith.constant 0 : i32
      %dma_start3A_765 = tpu.memref_slice %arg5[%add3A_757, %dma_start3A_764] : memref<200x128xi32, #tpu.memory_space<vmem>> -> memref<1x128xi32, #tpu.memory_space<vmem>>
      %dma_start3A_766 = tpu.memref_squeeze %dma_start3A_765 : memref<1x128xi32, #tpu.memory_space<vmem>> -> memref<128xi32, #tpu.memory_space<vmem>>
      %dma_start3A_767 = arith.constant 0 : i32
      %dma_start3A_768 = arith.constant 0 : i32
      %dma_start3A_769 = tpu.memref_slice %arg2[%dma_start3A_767, %dma_start3A_768] : memref<1000000x64xf32, #tpu.memory_space<hbm>> -> memref<1000000x64xf32, #tpu.memory_space<hbm>>
      %dma_start3A_770 = tpu.memref_slice %arg7[%dma_start3A_759] : memref<4x!tpu.dma_semaphore, #tpu.memory_space<semaphore_mem>> -> memref<1x!tpu.dma_semaphore, #tpu.memory_space<semaphore_mem>>
      %dma_start3A_771 = tpu.memref_squeeze %dma_start3A_770 : memref<1x!tpu.dma_semaphore, #tpu.memory_space<semaphore_mem>> -> memref<!tpu.dma_semaphore, #tpu.memory_space<semaphore_mem>>
      tpu.enqueue_indirect_dma source(%dma_start3A_769 : memref<1000000x64xf32, #tpu.memory_space<hbm>>) target(%dma_start3A_763 : memref<128x64xf32, #tpu.memory_space<vmem>>) offsets(%dma_start3A_766 : memref<128xi32, #tpu.memory_space<vmem>>) semaphore(%dma_start3A_771 : memref<!tpu.dma_semaphore, #tpu.memory_space<semaphore_mem>>)
      %add3A_772 = arith.constant 8 : i32
      %add3A_773 = arith.addi %add3A_734, %add3A_772 : i32
      %add3A_774 = arith.constant 1 : i32
      %add3A_775 = arith.addi %add3A_773, %add3A_774 : i32
      %dma_start3A_776 = arith.constant 2 : i32
      %dma_start3A_777 = arith.constant 2 : i32
      %dma_start3A_778 = arith.constant 128 : i32
      %dma_start3A_779 = arith.constant 0 : i32
      %dma_start3A_780 = tpu.memref_slice %arg6[%dma_start3A_776, %dma_start3A_778, %dma_start3A_779] : memref<4x256x64xf32, #tpu.memory_space<vmem>> -> memref<1x128x64xf32, #tpu.memory_space<vmem>>
      %dma_start3A_781 = tpu.memref_squeeze %dma_start3A_780 : memref<1x128x64xf32, #tpu.memory_space<vmem>> -> memref<128x64xf32, #tpu.memory_space<vmem>>
      %dma_start3A_782 = arith.constant 0 : i32
      %dma_start3A_783 = tpu.memref_slice %arg5[%add3A_775, %dma_start3A_782] : memref<200x128xi32, #tpu.memory_space<vmem>> -> memref<1x128xi32, #tpu.memory_space<vmem>>
      %dma_start3A_784 = tpu.memref_squeeze %dma_start3A_783 : memref<1x128xi32, #tpu.memory_space<vmem>> -> memref<128xi32, #tpu.memory_space<vmem>>
      %dma_start3A_785 = arith.constant 0 : i32
      %dma_start3A_786 = arith.constant 0 : i32
      %dma_start3A_787 = tpu.memref_slice %arg2[%dma_start3A_785, %dma_start3A_786] : memref<1000000x64xf32, #tpu.memory_space<hbm>> -> memref<1000000x64xf32, #tpu.memory_space<hbm>>
      %dma_start3A_788 = tpu.memref_slice %arg7[%dma_start3A_777] : memref<4x!tpu.dma_semaphore, #tpu.memory_space<semaphore_mem>> -> memref<1x!tpu.dma_semaphore, #tpu.memory_space<semaphore_mem>>
      %dma_start3A_789 = tpu.memref_squeeze %dma_start3A_788 : memref<1x!tpu.dma_semaphore, #tpu.memory_space<semaphore_mem>> -> memref<!tpu.dma_semaphore, #tpu.memory_space<semaphore_mem>>
      tpu.enqueue_indirect_dma source(%dma_start3A_787 : memref<1000000x64xf32, #tpu.memory_space<hbm>>) target(%dma_start3A_781 : memref<128x64xf32, #tpu.memory_space<vmem>>) offsets(%dma_start3A_784 : memref<128xi32, #tpu.memory_space<vmem>>) semaphore(%dma_start3A_789 : memref<!tpu.dma_semaphore, #tpu.memory_space<semaphore_mem>>)
      %mul3A_790 = arith.constant 8 : i32
      %mul3A_791 = arith.muli %scan3A_392, %mul3A_790 : i32
      %add3A_792 = arith.constant 6 : i32
      %add3A_793 = arith.addi %mul3A_791, %add3A_792 : i32
      %mul3A_794 = arith.constant 128 : i32
      %mul3A_795 = arith.muli %add3A_793, %mul3A_794 : i32
      %add3A_796 = arith.addi %mul3A_4, %mul3A_795 : i32
      %dma_wait3A_797 = arith.constant 3 : i32
      %dma_wait3A_798 = arith.constant 3 : i32
      %dma_wait3A_799 = arith.constant 0 : i32
      %dma_wait3A_800 = arith.constant 0 : i32
      %dma_wait3A_801 = tpu.memref_slice %arg6[%dma_wait3A_797, %dma_wait3A_799, %dma_wait3A_800] : memref<4x256x64xf32, #tpu.memory_space<vmem>> -> memref<1x256x64xf32, #tpu.memory_space<vmem>>
      %dma_wait3A_802 = tpu.memref_squeeze %dma_wait3A_801 : memref<1x256x64xf32, #tpu.memory_space<vmem>> -> memref<256x64xf32, #tpu.memory_space<vmem>>
      %dma_wait3A_803 = arith.constant 0 : i32
      %dma_wait3A_804 = tpu.memref_slice %arg4[%add3A_796, %dma_wait3A_803] : memref<819200x64xf32, #tpu.memory_space<hbm>> -> memref<256x64xf32, #tpu.memory_space<hbm>>
      %dma_wait3A_805 = tpu.memref_slice %arg8[%dma_wait3A_798] : memref<4x!tpu.dma_semaphore, #tpu.memory_space<semaphore_mem>> -> memref<1x!tpu.dma_semaphore, #tpu.memory_space<semaphore_mem>>
      %dma_wait3A_806 = tpu.memref_squeeze %dma_wait3A_805 : memref<1x!tpu.dma_semaphore, #tpu.memory_space<semaphore_mem>> -> memref<!tpu.dma_semaphore, #tpu.memory_space<semaphore_mem>>
      %dma_wait3A_807 = arith.constant 0 : i32
      %dma_wait3A_808 = tpu.memref_slice %arg4[%add3A_796, %dma_wait3A_807] : memref<819200x64xf32, #tpu.memory_space<hbm>> -> memref<256x64xf32, #tpu.memory_space<hbm>>
      %dma_wait3A_809 = arith.constant 0 : i32
      %dma_wait3A_810 = arith.constant 0 : i32
      %dma_wait3A_811 = tpu.memref_slice %arg6[%dma_wait3A_797, %dma_wait3A_809, %dma_wait3A_810] : memref<4x256x64xf32, #tpu.memory_space<vmem>> -> memref<1x256x64xf32, #tpu.memory_space<vmem>>
      %dma_wait3A_812 = tpu.memref_squeeze %dma_wait3A_811 : memref<1x256x64xf32, #tpu.memory_space<vmem>> -> memref<256x64xf32, #tpu.memory_space<vmem>>
      tpu.wait_dma2 semaphore(%dma_wait3A_806 : memref<!tpu.dma_semaphore, #tpu.memory_space<semaphore_mem>>) src(%dma_wait3A_812 : memref<256x64xf32, #tpu.memory_space<vmem>>) dst(%dma_wait3A_808 : memref<256x64xf32, #tpu.memory_space<hbm>>)
      %add3A_813 = arith.constant 8 : i32
      %add3A_814 = arith.addi %add3A_793, %add3A_813 : i32
      %add3A_815 = arith.constant 0 : i32
      %add3A_816 = arith.addi %add3A_814, %add3A_815 : i32
      %dma_start3A_817 = arith.constant 3 : i32
      %dma_start3A_818 = arith.constant 3 : i32
      %dma_start3A_819 = arith.constant 0 : i32
      %dma_start3A_820 = arith.constant 0 : i32
      %dma_start3A_821 = tpu.memref_slice %arg6[%dma_start3A_817, %dma_start3A_819, %dma_start3A_820] : memref<4x256x64xf32, #tpu.memory_space<vmem>> -> memref<1x128x64xf32, #tpu.memory_space<vmem>>
      %dma_start3A_822 = tpu.memref_squeeze %dma_start3A_821 : memref<1x128x64xf32, #tpu.memory_space<vmem>> -> memref<128x64xf32, #tpu.memory_space<vmem>>
      %dma_start3A_823 = arith.constant 0 : i32
      %dma_start3A_824 = tpu.memref_slice %arg5[%add3A_816, %dma_start3A_823] : memref<200x128xi32, #tpu.memory_space<vmem>> -> memref<1x128xi32, #tpu.memory_space<vmem>>
      %dma_start3A_825 = tpu.memref_squeeze %dma_start3A_824 : memref<1x128xi32, #tpu.memory_space<vmem>> -> memref<128xi32, #tpu.memory_space<vmem>>
      %dma_start3A_826 = arith.constant 0 : i32
      %dma_start3A_827 = arith.constant 0 : i32
      %dma_start3A_828 = tpu.memref_slice %arg2[%dma_start3A_826, %dma_start3A_827] : memref<1000000x64xf32, #tpu.memory_space<hbm>> -> memref<1000000x64xf32, #tpu.memory_space<hbm>>
      %dma_start3A_829 = tpu.memref_slice %arg7[%dma_start3A_818] : memref<4x!tpu.dma_semaphore, #tpu.memory_space<semaphore_mem>> -> memref<1x!tpu.dma_semaphore, #tpu.memory_space<semaphore_mem>>
      %dma_start3A_830 = tpu.memref_squeeze %dma_start3A_829 : memref<1x!tpu.dma_semaphore, #tpu.memory_space<semaphore_mem>> -> memref<!tpu.dma_semaphore, #tpu.memory_space<semaphore_mem>>
      tpu.enqueue_indirect_dma source(%dma_start3A_828 : memref<1000000x64xf32, #tpu.memory_space<hbm>>) target(%dma_start3A_822 : memref<128x64xf32, #tpu.memory_space<vmem>>) offsets(%dma_start3A_825 : memref<128xi32, #tpu.memory_space<vmem>>) semaphore(%dma_start3A_830 : memref<!tpu.dma_semaphore, #tpu.memory_space<semaphore_mem>>)
      %add3A_831 = arith.constant 8 : i32
      %add3A_832 = arith.addi %add3A_793, %add3A_831 : i32
      %add3A_833 = arith.constant 1 : i32
      %add3A_834 = arith.addi %add3A_832, %add3A_833 : i32
      %dma_start3A_835 = arith.constant 3 : i32
      %dma_start3A_836 = arith.constant 3 : i32
      %dma_start3A_837 = arith.constant 128 : i32
      %dma_start3A_838 = arith.constant 0 : i32
      %dma_start3A_839 = tpu.memref_slice %arg6[%dma_start3A_835, %dma_start3A_837, %dma_start3A_838] : memref<4x256x64xf32, #tpu.memory_space<vmem>> -> memref<1x128x64xf32, #tpu.memory_space<vmem>>
      %dma_start3A_840 = tpu.memref_squeeze %dma_start3A_839 : memref<1x128x64xf32, #tpu.memory_space<vmem>> -> memref<128x64xf32, #tpu.memory_space<vmem>>
      %dma_start3A_841 = arith.constant 0 : i32
      %dma_start3A_842 = tpu.memref_slice %arg5[%add3A_834, %dma_start3A_841] : memref<200x128xi32, #tpu.memory_space<vmem>> -> memref<1x128xi32, #tpu.memory_space<vmem>>
      %dma_start3A_843 = tpu.memref_squeeze %dma_start3A_842 : memref<1x128xi32, #tpu.memory_space<vmem>> -> memref<128xi32, #tpu.memory_space<vmem>>
      %dma_start3A_844 = arith.constant 0 : i32
      %dma_start3A_845 = arith.constant 0 : i32
      %dma_start3A_846 = tpu.memref_slice %arg2[%dma_start3A_844, %dma_start3A_845] : memref<1000000x64xf32, #tpu.memory_space<hbm>> -> memref<1000000x64xf32, #tpu.memory_space<hbm>>
      %dma_start3A_847 = tpu.memref_slice %arg7[%dma_start3A_836] : memref<4x!tpu.dma_semaphore, #tpu.memory_space<semaphore_mem>> -> memref<1x!tpu.dma_semaphore, #tpu.memory_space<semaphore_mem>>
      %dma_start3A_848 = tpu.memref_squeeze %dma_start3A_847 : memref<1x!tpu.dma_semaphore, #tpu.memory_space<semaphore_mem>> -> memref<!tpu.dma_semaphore, #tpu.memory_space<semaphore_mem>>
      tpu.enqueue_indirect_dma source(%dma_start3A_846 : memref<1000000x64xf32, #tpu.memory_space<hbm>>) target(%dma_start3A_840 : memref<128x64xf32, #tpu.memory_space<vmem>>) offsets(%dma_start3A_843 : memref<128xi32, #tpu.memory_space<vmem>>) semaphore(%dma_start3A_848 : memref<!tpu.dma_semaphore, #tpu.memory_space<semaphore_mem>>)
    }
    %scan3A_128 = arith.constant 24 : i32
    %dma_wait3A = arith.constant 192 : i32
    %dma_wait3A_129 = arith.constant 0 : i32
    %dma_wait3A_130 = arith.constant 0 : i32
    %dma_wait3A_131 = arith.constant 0 : i32
    %dma_wait3A_132 = arith.constant 0 : i32
    %dma_wait3A_133 = tpu.memref_slice %arg6[%dma_wait3A_129, %dma_wait3A_131, %dma_wait3A_132] : memref<4x256x64xf32, #tpu.memory_space<vmem>> -> memref<1x128x64xf32, #tpu.memory_space<vmem>>
    %dma_wait3A_134 = tpu.memref_squeeze %dma_wait3A_133 : memref<1x128x64xf32, #tpu.memory_space<vmem>> -> memref<128x64xf32, #tpu.memory_space<vmem>>
    %dma_wait3A_135 = arith.constant 0 : i32
    %dma_wait3A_136 = tpu.memref_slice %arg5[%dma_wait3A, %dma_wait3A_135] : memref<200x128xi32, #tpu.memory_space<vmem>> -> memref<1x128xi32, #tpu.memory_space<vmem>>
    %dma_wait3A_137 = tpu.memref_squeeze %dma_wait3A_136 : memref<1x128xi32, #tpu.memory_space<vmem>> -> memref<128xi32, #tpu.memory_space<vmem>>
    %dma_wait3A_138 = arith.constant 0 : i32
    %dma_wait3A_139 = arith.constant 0 : i32
    %dma_wait3A_140 = tpu.memref_slice %arg2[%dma_wait3A_138, %dma_wait3A_139] : memref<1000000x64xf32, #tpu.memory_space<hbm>> -> memref<1000000x64xf32, #tpu.memory_space<hbm>>
    %dma_wait3A_141 = tpu.memref_slice %arg7[%dma_wait3A_130] : memref<4x!tpu.dma_semaphore, #tpu.memory_space<semaphore_mem>> -> memref<1x!tpu.dma_semaphore, #tpu.memory_space<semaphore_mem>>
    %dma_wait3A_142 = tpu.memref_squeeze %dma_wait3A_141 : memref<1x!tpu.dma_semaphore, #tpu.memory_space<semaphore_mem>> -> memref<!tpu.dma_semaphore, #tpu.memory_space<semaphore_mem>>
    tpu.wait_indirect_dma semaphore(%dma_wait3A_142 : memref<!tpu.dma_semaphore, #tpu.memory_space<semaphore_mem>>) src(%dma_wait3A_140 : memref<1000000x64xf32, #tpu.memory_space<hbm>>) dst(%dma_wait3A_134 : memref<128x64xf32, #tpu.memory_space<vmem>>)
    %dma_wait3A_143 = arith.constant 193 : i32
    %dma_wait3A_144 = arith.constant 0 : i32
    %dma_wait3A_145 = arith.constant 0 : i32
    %dma_wait3A_146 = arith.constant 128 : i32
    %dma_wait3A_147 = arith.constant 0 : i32
    %dma_wait3A_148 = tpu.memref_slice %arg6[%dma_wait3A_144, %dma_wait3A_146, %dma_wait3A_147] : memref<4x256x64xf32, #tpu.memory_space<vmem>> -> memref<1x128x64xf32, #tpu.memory_space<vmem>>
    %dma_wait3A_149 = tpu.memref_squeeze %dma_wait3A_148 : memref<1x128x64xf32, #tpu.memory_space<vmem>> -> memref<128x64xf32, #tpu.memory_space<vmem>>
    %dma_wait3A_150 = arith.constant 0 : i32
    %dma_wait3A_151 = tpu.memref_slice %arg5[%dma_wait3A_143, %dma_wait3A_150] : memref<200x128xi32, #tpu.memory_space<vmem>> -> memref<1x128xi32, #tpu.memory_space<vmem>>
    %dma_wait3A_152 = tpu.memref_squeeze %dma_wait3A_151 : memref<1x128xi32, #tpu.memory_space<vmem>> -> memref<128xi32, #tpu.memory_space<vmem>>
    %dma_wait3A_153 = arith.constant 0 : i32
    %dma_wait3A_154 = arith.constant 0 : i32
    %dma_wait3A_155 = tpu.memref_slice %arg2[%dma_wait3A_153, %dma_wait3A_154] : memref<1000000x64xf32, #tpu.memory_space<hbm>> -> memref<1000000x64xf32, #tpu.memory_space<hbm>>
    %dma_wait3A_156 = tpu.memref_slice %arg7[%dma_wait3A_145] : memref<4x!tpu.dma_semaphore, #tpu.memory_space<semaphore_mem>> -> memref<1x!tpu.dma_semaphore, #tpu.memory_space<semaphore_mem>>
    %dma_wait3A_157 = tpu.memref_squeeze %dma_wait3A_156 : memref<1x!tpu.dma_semaphore, #tpu.memory_space<semaphore_mem>> -> memref<!tpu.dma_semaphore, #tpu.memory_space<semaphore_mem>>
    tpu.wait_indirect_dma semaphore(%dma_wait3A_157 : memref<!tpu.dma_semaphore, #tpu.memory_space<semaphore_mem>>) src(%dma_wait3A_155 : memref<1000000x64xf32, #tpu.memory_space<hbm>>) dst(%dma_wait3A_149 : memref<128x64xf32, #tpu.memory_space<vmem>>)
    %add3A_158 = arith.constant 24576 : i32
    %add3A_159 = arith.addi %mul3A_4, %add3A_158 : i32
    %dma_start3A_160 = arith.constant 0 : i32
    %dma_start3A_161 = arith.constant 0 : i32
    %dma_start3A_162 = arith.constant 0 : i32
    %dma_start3A_163 = arith.constant 0 : i32
    %dma_start3A_164 = tpu.memref_slice %arg6[%dma_start3A_160, %dma_start3A_162, %dma_start3A_163] : memref<4x256x64xf32, #tpu.memory_space<vmem>> -> memref<1x256x64xf32, #tpu.memory_space<vmem>>
    %dma_start3A_165 = tpu.memref_squeeze %dma_start3A_164 : memref<1x256x64xf32, #tpu.memory_space<vmem>> -> memref<256x64xf32, #tpu.memory_space<vmem>>
    %dma_start3A_166 = arith.constant 0 : i32
    %dma_start3A_167 = tpu.memref_slice %arg4[%add3A_159, %dma_start3A_166] : memref<819200x64xf32, #tpu.memory_space<hbm>> -> memref<256x64xf32, #tpu.memory_space<hbm>>
    %dma_start3A_168 = tpu.memref_slice %arg8[%dma_start3A_161] : memref<4x!tpu.dma_semaphore, #tpu.memory_space<semaphore_mem>> -> memref<1x!tpu.dma_semaphore, #tpu.memory_space<semaphore_mem>>
    %dma_start3A_169 = tpu.memref_squeeze %dma_start3A_168 : memref<1x!tpu.dma_semaphore, #tpu.memory_space<semaphore_mem>> -> memref<!tpu.dma_semaphore, #tpu.memory_space<semaphore_mem>>
    %dma_start3A_170 = arith.constant 0 : i32
    %dma_start3A_171 = tpu.memref_slice %arg4[%add3A_159, %dma_start3A_170] : memref<819200x64xf32, #tpu.memory_space<hbm>> -> memref<256x64xf32, #tpu.memory_space<hbm>>
    %dma_start3A_172 = arith.constant 0 : i32
    %dma_start3A_173 = arith.constant 0 : i32
    %dma_start3A_174 = tpu.memref_slice %arg6[%dma_start3A_160, %dma_start3A_172, %dma_start3A_173] : memref<4x256x64xf32, #tpu.memory_space<vmem>> -> memref<1x256x64xf32, #tpu.memory_space<vmem>>
    %dma_start3A_175 = tpu.memref_squeeze %dma_start3A_174 : memref<1x256x64xf32, #tpu.memory_space<vmem>> -> memref<256x64xf32, #tpu.memory_space<vmem>>
    tpu.enqueue_dma source(%dma_start3A_175 : memref<256x64xf32, #tpu.memory_space<vmem>>) target(%dma_start3A_171 : memref<256x64xf32, #tpu.memory_space<hbm>>) target_semaphore(%dma_start3A_169 : memref<!tpu.dma_semaphore, #tpu.memory_space<semaphore_mem>>)
    %dma_wait3A_176 = arith.constant 194 : i32
    %dma_wait3A_177 = arith.constant 1 : i32
    %dma_wait3A_178 = arith.constant 1 : i32
    %dma_wait3A_179 = arith.constant 0 : i32
    %dma_wait3A_180 = arith.constant 0 : i32
    %dma_wait3A_181 = tpu.memref_slice %arg6[%dma_wait3A_177, %dma_wait3A_179, %dma_wait3A_180] : memref<4x256x64xf32, #tpu.memory_space<vmem>> -> memref<1x128x64xf32, #tpu.memory_space<vmem>>
    %dma_wait3A_182 = tpu.memref_squeeze %dma_wait3A_181 : memref<1x128x64xf32, #tpu.memory_space<vmem>> -> memref<128x64xf32, #tpu.memory_space<vmem>>
    %dma_wait3A_183 = arith.constant 0 : i32
    %dma_wait3A_184 = tpu.memref_slice %arg5[%dma_wait3A_176, %dma_wait3A_183] : memref<200x128xi32, #tpu.memory_space<vmem>> -> memref<1x128xi32, #tpu.memory_space<vmem>>
    %dma_wait3A_185 = tpu.memref_squeeze %dma_wait3A_184 : memref<1x128xi32, #tpu.memory_space<vmem>> -> memref<128xi32, #tpu.memory_space<vmem>>
    %dma_wait3A_186 = arith.constant 0 : i32
    %dma_wait3A_187 = arith.constant 0 : i32
    %dma_wait3A_188 = tpu.memref_slice %arg2[%dma_wait3A_186, %dma_wait3A_187] : memref<1000000x64xf32, #tpu.memory_space<hbm>> -> memref<1000000x64xf32, #tpu.memory_space<hbm>>
    %dma_wait3A_189 = tpu.memref_slice %arg7[%dma_wait3A_178] : memref<4x!tpu.dma_semaphore, #tpu.memory_space<semaphore_mem>> -> memref<1x!tpu.dma_semaphore, #tpu.memory_space<semaphore_mem>>
    %dma_wait3A_190 = tpu.memref_squeeze %dma_wait3A_189 : memref<1x!tpu.dma_semaphore, #tpu.memory_space<semaphore_mem>> -> memref<!tpu.dma_semaphore, #tpu.memory_space<semaphore_mem>>
    tpu.wait_indirect_dma semaphore(%dma_wait3A_190 : memref<!tpu.dma_semaphore, #tpu.memory_space<semaphore_mem>>) src(%dma_wait3A_188 : memref<1000000x64xf32, #tpu.memory_space<hbm>>) dst(%dma_wait3A_182 : memref<128x64xf32, #tpu.memory_space<vmem>>)
    %dma_wait3A_191 = arith.constant 195 : i32
    %dma_wait3A_192 = arith.constant 1 : i32
    %dma_wait3A_193 = arith.constant 1 : i32
    %dma_wait3A_194 = arith.constant 128 : i32
    %dma_wait3A_195 = arith.constant 0 : i32
    %dma_wait3A_196 = tpu.memref_slice %arg6[%dma_wait3A_192, %dma_wait3A_194, %dma_wait3A_195] : memref<4x256x64xf32, #tpu.memory_space<vmem>> -> memref<1x128x64xf32, #tpu.memory_space<vmem>>
    %dma_wait3A_197 = tpu.memref_squeeze %dma_wait3A_196 : memref<1x128x64xf32, #tpu.memory_space<vmem>> -> memref<128x64xf32, #tpu.memory_space<vmem>>
    %dma_wait3A_198 = arith.constant 0 : i32
    %dma_wait3A_199 = tpu.memref_slice %arg5[%dma_wait3A_191, %dma_wait3A_198] : memref<200x128xi32, #tpu.memory_space<vmem>> -> memref<1x128xi32, #tpu.memory_space<vmem>>
    %dma_wait3A_200 = tpu.memref_squeeze %dma_wait3A_199 : memref<1x128xi32, #tpu.memory_space<vmem>> -> memref<128xi32, #tpu.memory_space<vmem>>
    %dma_wait3A_201 = arith.constant 0 : i32
    %dma_wait3A_202 = arith.constant 0 : i32
    %dma_wait3A_203 = tpu.memref_slice %arg2[%dma_wait3A_201, %dma_wait3A_202] : memref<1000000x64xf32, #tpu.memory_space<hbm>> -> memref<1000000x64xf32, #tpu.memory_space<hbm>>
    %dma_wait3A_204 = tpu.memref_slice %arg7[%dma_wait3A_193] : memref<4x!tpu.dma_semaphore, #tpu.memory_space<semaphore_mem>> -> memref<1x!tpu.dma_semaphore, #tpu.memory_space<semaphore_mem>>
    %dma_wait3A_205 = tpu.memref_squeeze %dma_wait3A_204 : memref<1x!tpu.dma_semaphore, #tpu.memory_space<semaphore_mem>> -> memref<!tpu.dma_semaphore, #tpu.memory_space<semaphore_mem>>
    tpu.wait_indirect_dma semaphore(%dma_wait3A_205 : memref<!tpu.dma_semaphore, #tpu.memory_space<semaphore_mem>>) src(%dma_wait3A_203 : memref<1000000x64xf32, #tpu.memory_space<hbm>>) dst(%dma_wait3A_197 : memref<128x64xf32, #tpu.memory_space<vmem>>)
    %add3A_206 = arith.constant 24832 : i32
    %add3A_207 = arith.addi %mul3A_4, %add3A_206 : i32
    %dma_start3A_208 = arith.constant 1 : i32
    %dma_start3A_209 = arith.constant 1 : i32
    %dma_start3A_210 = arith.constant 0 : i32
    %dma_start3A_211 = arith.constant 0 : i32
    %dma_start3A_212 = tpu.memref_slice %arg6[%dma_start3A_208, %dma_start3A_210, %dma_start3A_211] : memref<4x256x64xf32, #tpu.memory_space<vmem>> -> memref<1x256x64xf32, #tpu.memory_space<vmem>>
    %dma_start3A_213 = tpu.memref_squeeze %dma_start3A_212 : memref<1x256x64xf32, #tpu.memory_space<vmem>> -> memref<256x64xf32, #tpu.memory_space<vmem>>
    %dma_start3A_214 = arith.constant 0 : i32
    %dma_start3A_215 = tpu.memref_slice %arg4[%add3A_207, %dma_start3A_214] : memref<819200x64xf32, #tpu.memory_space<hbm>> -> memref<256x64xf32, #tpu.memory_space<hbm>>
    %dma_start3A_216 = tpu.memref_slice %arg8[%dma_start3A_209] : memref<4x!tpu.dma_semaphore, #tpu.memory_space<semaphore_mem>> -> memref<1x!tpu.dma_semaphore, #tpu.memory_space<semaphore_mem>>
    %dma_start3A_217 = tpu.memref_squeeze %dma_start3A_216 : memref<1x!tpu.dma_semaphore, #tpu.memory_space<semaphore_mem>> -> memref<!tpu.dma_semaphore, #tpu.memory_space<semaphore_mem>>
    %dma_start3A_218 = arith.constant 0 : i32
    %dma_start3A_219 = tpu.memref_slice %arg4[%add3A_207, %dma_start3A_218] : memref<819200x64xf32, #tpu.memory_space<hbm>> -> memref<256x64xf32, #tpu.memory_space<hbm>>
    %dma_start3A_220 = arith.constant 0 : i32
    %dma_start3A_221 = arith.constant 0 : i32
    %dma_start3A_222 = tpu.memref_slice %arg6[%dma_start3A_208, %dma_start3A_220, %dma_start3A_221] : memref<4x256x64xf32, #tpu.memory_space<vmem>> -> memref<1x256x64xf32, #tpu.memory_space<vmem>>
    %dma_start3A_223 = tpu.memref_squeeze %dma_start3A_222 : memref<1x256x64xf32, #tpu.memory_space<vmem>> -> memref<256x64xf32, #tpu.memory_space<vmem>>
    tpu.enqueue_dma source(%dma_start3A_223 : memref<256x64xf32, #tpu.memory_space<vmem>>) target(%dma_start3A_219 : memref<256x64xf32, #tpu.memory_space<hbm>>) target_semaphore(%dma_start3A_217 : memref<!tpu.dma_semaphore, #tpu.memory_space<semaphore_mem>>)
    %dma_wait3A_224 = arith.constant 196 : i32
    %dma_wait3A_225 = arith.constant 2 : i32
    %dma_wait3A_226 = arith.constant 2 : i32
    %dma_wait3A_227 = arith.constant 0 : i32
    %dma_wait3A_228 = arith.constant 0 : i32
    %dma_wait3A_229 = tpu.memref_slice %arg6[%dma_wait3A_225, %dma_wait3A_227, %dma_wait3A_228] : memref<4x256x64xf32, #tpu.memory_space<vmem>> -> memref<1x128x64xf32, #tpu.memory_space<vmem>>
    %dma_wait3A_230 = tpu.memref_squeeze %dma_wait3A_229 : memref<1x128x64xf32, #tpu.memory_space<vmem>> -> memref<128x64xf32, #tpu.memory_space<vmem>>
    %dma_wait3A_231 = arith.constant 0 : i32
    %dma_wait3A_232 = tpu.memref_slice %arg5[%dma_wait3A_224, %dma_wait3A_231] : memref<200x128xi32, #tpu.memory_space<vmem>> -> memref<1x128xi32, #tpu.memory_space<vmem>>
    %dma_wait3A_233 = tpu.memref_squeeze %dma_wait3A_232 : memref<1x128xi32, #tpu.memory_space<vmem>> -> memref<128xi32, #tpu.memory_space<vmem>>
    %dma_wait3A_234 = arith.constant 0 : i32
    %dma_wait3A_235 = arith.constant 0 : i32
    %dma_wait3A_236 = tpu.memref_slice %arg2[%dma_wait3A_234, %dma_wait3A_235] : memref<1000000x64xf32, #tpu.memory_space<hbm>> -> memref<1000000x64xf32, #tpu.memory_space<hbm>>
    %dma_wait3A_237 = tpu.memref_slice %arg7[%dma_wait3A_226] : memref<4x!tpu.dma_semaphore, #tpu.memory_space<semaphore_mem>> -> memref<1x!tpu.dma_semaphore, #tpu.memory_space<semaphore_mem>>
    %dma_wait3A_238 = tpu.memref_squeeze %dma_wait3A_237 : memref<1x!tpu.dma_semaphore, #tpu.memory_space<semaphore_mem>> -> memref<!tpu.dma_semaphore, #tpu.memory_space<semaphore_mem>>
    tpu.wait_indirect_dma semaphore(%dma_wait3A_238 : memref<!tpu.dma_semaphore, #tpu.memory_space<semaphore_mem>>) src(%dma_wait3A_236 : memref<1000000x64xf32, #tpu.memory_space<hbm>>) dst(%dma_wait3A_230 : memref<128x64xf32, #tpu.memory_space<vmem>>)
    %dma_wait3A_239 = arith.constant 197 : i32
    %dma_wait3A_240 = arith.constant 2 : i32
    %dma_wait3A_241 = arith.constant 2 : i32
    %dma_wait3A_242 = arith.constant 128 : i32
    %dma_wait3A_243 = arith.constant 0 : i32
    %dma_wait3A_244 = tpu.memref_slice %arg6[%dma_wait3A_240, %dma_wait3A_242, %dma_wait3A_243] : memref<4x256x64xf32, #tpu.memory_space<vmem>> -> memref<1x128x64xf32, #tpu.memory_space<vmem>>
    %dma_wait3A_245 = tpu.memref_squeeze %dma_wait3A_244 : memref<1x128x64xf32, #tpu.memory_space<vmem>> -> memref<128x64xf32, #tpu.memory_space<vmem>>
    %dma_wait3A_246 = arith.constant 0 : i32
    %dma_wait3A_247 = tpu.memref_slice %arg5[%dma_wait3A_239, %dma_wait3A_246] : memref<200x128xi32, #tpu.memory_space<vmem>> -> memref<1x128xi32, #tpu.memory_space<vmem>>
    %dma_wait3A_248 = tpu.memref_squeeze %dma_wait3A_247 : memref<1x128xi32, #tpu.memory_space<vmem>> -> memref<128xi32, #tpu.memory_space<vmem>>
    %dma_wait3A_249 = arith.constant 0 : i32
    %dma_wait3A_250 = arith.constant 0 : i32
    %dma_wait3A_251 = tpu.memref_slice %arg2[%dma_wait3A_249, %dma_wait3A_250] : memref<1000000x64xf32, #tpu.memory_space<hbm>> -> memref<1000000x64xf32, #tpu.memory_space<hbm>>
    %dma_wait3A_252 = tpu.memref_slice %arg7[%dma_wait3A_241] : memref<4x!tpu.dma_semaphore, #tpu.memory_space<semaphore_mem>> -> memref<1x!tpu.dma_semaphore, #tpu.memory_space<semaphore_mem>>
    %dma_wait3A_253 = tpu.memref_squeeze %dma_wait3A_252 : memref<1x!tpu.dma_semaphore, #tpu.memory_space<semaphore_mem>> -> memref<!tpu.dma_semaphore, #tpu.memory_space<semaphore_mem>>
    tpu.wait_indirect_dma semaphore(%dma_wait3A_253 : memref<!tpu.dma_semaphore, #tpu.memory_space<semaphore_mem>>) src(%dma_wait3A_251 : memref<1000000x64xf32, #tpu.memory_space<hbm>>) dst(%dma_wait3A_245 : memref<128x64xf32, #tpu.memory_space<vmem>>)
    %add3A_254 = arith.constant 25088 : i32
    %add3A_255 = arith.addi %mul3A_4, %add3A_254 : i32
    %dma_start3A_256 = arith.constant 2 : i32
    %dma_start3A_257 = arith.constant 2 : i32
    %dma_start3A_258 = arith.constant 0 : i32
    %dma_start3A_259 = arith.constant 0 : i32
    %dma_start3A_260 = tpu.memref_slice %arg6[%dma_start3A_256, %dma_start3A_258, %dma_start3A_259] : memref<4x256x64xf32, #tpu.memory_space<vmem>> -> memref<1x256x64xf32, #tpu.memory_space<vmem>>
    %dma_start3A_261 = tpu.memref_squeeze %dma_start3A_260 : memref<1x256x64xf32, #tpu.memory_space<vmem>> -> memref<256x64xf32, #tpu.memory_space<vmem>>
    %dma_start3A_262 = arith.constant 0 : i32
    %dma_start3A_263 = tpu.memref_slice %arg4[%add3A_255, %dma_start3A_262] : memref<819200x64xf32, #tpu.memory_space<hbm>> -> memref<256x64xf32, #tpu.memory_space<hbm>>
    %dma_start3A_264 = tpu.memref_slice %arg8[%dma_start3A_257] : memref<4x!tpu.dma_semaphore, #tpu.memory_space<semaphore_mem>> -> memref<1x!tpu.dma_semaphore, #tpu.memory_space<semaphore_mem>>
    %dma_start3A_265 = tpu.memref_squeeze %dma_start3A_264 : memref<1x!tpu.dma_semaphore, #tpu.memory_space<semaphore_mem>> -> memref<!tpu.dma_semaphore, #tpu.memory_space<semaphore_mem>>
    %dma_start3A_266 = arith.constant 0 : i32
    %dma_start3A_267 = tpu.memref_slice %arg4[%add3A_255, %dma_start3A_266] : memref<819200x64xf32, #tpu.memory_space<hbm>> -> memref<256x64xf32, #tpu.memory_space<hbm>>
    %dma_start3A_268 = arith.constant 0 : i32
    %dma_start3A_269 = arith.constant 0 : i32
    %dma_start3A_270 = tpu.memref_slice %arg6[%dma_start3A_256, %dma_start3A_268, %dma_start3A_269] : memref<4x256x64xf32, #tpu.memory_space<vmem>> -> memref<1x256x64xf32, #tpu.memory_space<vmem>>
    %dma_start3A_271 = tpu.memref_squeeze %dma_start3A_270 : memref<1x256x64xf32, #tpu.memory_space<vmem>> -> memref<256x64xf32, #tpu.memory_space<vmem>>
    tpu.enqueue_dma source(%dma_start3A_271 : memref<256x64xf32, #tpu.memory_space<vmem>>) target(%dma_start3A_267 : memref<256x64xf32, #tpu.memory_space<hbm>>) target_semaphore(%dma_start3A_265 : memref<!tpu.dma_semaphore, #tpu.memory_space<semaphore_mem>>)
    %dma_wait3A_272 = arith.constant 198 : i32
    %dma_wait3A_273 = arith.constant 3 : i32
    %dma_wait3A_274 = arith.constant 3 : i32
    %dma_wait3A_275 = arith.constant 0 : i32
    %dma_wait3A_276 = arith.constant 0 : i32
    %dma_wait3A_277 = tpu.memref_slice %arg6[%dma_wait3A_273, %dma_wait3A_275, %dma_wait3A_276] : memref<4x256x64xf32, #tpu.memory_space<vmem>> -> memref<1x128x64xf32, #tpu.memory_space<vmem>>
    %dma_wait3A_278 = tpu.memref_squeeze %dma_wait3A_277 : memref<1x128x64xf32, #tpu.memory_space<vmem>> -> memref<128x64xf32, #tpu.memory_space<vmem>>
    %dma_wait3A_279 = arith.constant 0 : i32
    %dma_wait3A_280 = tpu.memref_slice %arg5[%dma_wait3A_272, %dma_wait3A_279] : memref<200x128xi32, #tpu.memory_space<vmem>> -> memref<1x128xi32, #tpu.memory_space<vmem>>
    %dma_wait3A_281 = tpu.memref_squeeze %dma_wait3A_280 : memref<1x128xi32, #tpu.memory_space<vmem>> -> memref<128xi32, #tpu.memory_space<vmem>>
    %dma_wait3A_282 = arith.constant 0 : i32
    %dma_wait3A_283 = arith.constant 0 : i32
    %dma_wait3A_284 = tpu.memref_slice %arg2[%dma_wait3A_282, %dma_wait3A_283] : memref<1000000x64xf32, #tpu.memory_space<hbm>> -> memref<1000000x64xf32, #tpu.memory_space<hbm>>
    %dma_wait3A_285 = tpu.memref_slice %arg7[%dma_wait3A_274] : memref<4x!tpu.dma_semaphore, #tpu.memory_space<semaphore_mem>> -> memref<1x!tpu.dma_semaphore, #tpu.memory_space<semaphore_mem>>
    %dma_wait3A_286 = tpu.memref_squeeze %dma_wait3A_285 : memref<1x!tpu.dma_semaphore, #tpu.memory_space<semaphore_mem>> -> memref<!tpu.dma_semaphore, #tpu.memory_space<semaphore_mem>>
    tpu.wait_indirect_dma semaphore(%dma_wait3A_286 : memref<!tpu.dma_semaphore, #tpu.memory_space<semaphore_mem>>) src(%dma_wait3A_284 : memref<1000000x64xf32, #tpu.memory_space<hbm>>) dst(%dma_wait3A_278 : memref<128x64xf32, #tpu.memory_space<vmem>>)
    %dma_wait3A_287 = arith.constant 199 : i32
    %dma_wait3A_288 = arith.constant 3 : i32
    %dma_wait3A_289 = arith.constant 3 : i32
    %dma_wait3A_290 = arith.constant 128 : i32
    %dma_wait3A_291 = arith.constant 0 : i32
    %dma_wait3A_292 = tpu.memref_slice %arg6[%dma_wait3A_288, %dma_wait3A_290, %dma_wait3A_291] : memref<4x256x64xf32, #tpu.memory_space<vmem>> -> memref<1x128x64xf32, #tpu.memory_space<vmem>>
    %dma_wait3A_293 = tpu.memref_squeeze %dma_wait3A_292 : memref<1x128x64xf32, #tpu.memory_space<vmem>> -> memref<128x64xf32, #tpu.memory_space<vmem>>
    %dma_wait3A_294 = arith.constant 0 : i32
    %dma_wait3A_295 = tpu.memref_slice %arg5[%dma_wait3A_287, %dma_wait3A_294] : memref<200x128xi32, #tpu.memory_space<vmem>> -> memref<1x128xi32, #tpu.memory_space<vmem>>
    %dma_wait3A_296 = tpu.memref_squeeze %dma_wait3A_295 : memref<1x128xi32, #tpu.memory_space<vmem>> -> memref<128xi32, #tpu.memory_space<vmem>>
    %dma_wait3A_297 = arith.constant 0 : i32
    %dma_wait3A_298 = arith.constant 0 : i32
    %dma_wait3A_299 = tpu.memref_slice %arg2[%dma_wait3A_297, %dma_wait3A_298] : memref<1000000x64xf32, #tpu.memory_space<hbm>> -> memref<1000000x64xf32, #tpu.memory_space<hbm>>
    %dma_wait3A_300 = tpu.memref_slice %arg7[%dma_wait3A_289] : memref<4x!tpu.dma_semaphore, #tpu.memory_space<semaphore_mem>> -> memref<1x!tpu.dma_semaphore, #tpu.memory_space<semaphore_mem>>
    %dma_wait3A_301 = tpu.memref_squeeze %dma_wait3A_300 : memref<1x!tpu.dma_semaphore, #tpu.memory_space<semaphore_mem>> -> memref<!tpu.dma_semaphore, #tpu.memory_space<semaphore_mem>>
    tpu.wait_indirect_dma semaphore(%dma_wait3A_301 : memref<!tpu.dma_semaphore, #tpu.memory_space<semaphore_mem>>) src(%dma_wait3A_299 : memref<1000000x64xf32, #tpu.memory_space<hbm>>) dst(%dma_wait3A_293 : memref<128x64xf32, #tpu.memory_space<vmem>>)
    %add3A_302 = arith.constant 25344 : i32
    %add3A_303 = arith.addi %mul3A_4, %add3A_302 : i32
    %dma_start3A_304 = arith.constant 3 : i32
    %dma_start3A_305 = arith.constant 3 : i32
    %dma_start3A_306 = arith.constant 0 : i32
    %dma_start3A_307 = arith.constant 0 : i32
    %dma_start3A_308 = tpu.memref_slice %arg6[%dma_start3A_304, %dma_start3A_306, %dma_start3A_307] : memref<4x256x64xf32, #tpu.memory_space<vmem>> -> memref<1x256x64xf32, #tpu.memory_space<vmem>>
    %dma_start3A_309 = tpu.memref_squeeze %dma_start3A_308 : memref<1x256x64xf32, #tpu.memory_space<vmem>> -> memref<256x64xf32, #tpu.memory_space<vmem>>
    %dma_start3A_310 = arith.constant 0 : i32
    %dma_start3A_311 = tpu.memref_slice %arg4[%add3A_303, %dma_start3A_310] : memref<819200x64xf32, #tpu.memory_space<hbm>> -> memref<256x64xf32, #tpu.memory_space<hbm>>
    %dma_start3A_312 = tpu.memref_slice %arg8[%dma_start3A_305] : memref<4x!tpu.dma_semaphore, #tpu.memory_space<semaphore_mem>> -> memref<1x!tpu.dma_semaphore, #tpu.memory_space<semaphore_mem>>
    %dma_start3A_313 = tpu.memref_squeeze %dma_start3A_312 : memref<1x!tpu.dma_semaphore, #tpu.memory_space<semaphore_mem>> -> memref<!tpu.dma_semaphore, #tpu.memory_space<semaphore_mem>>
    %dma_start3A_314 = arith.constant 0 : i32
    %dma_start3A_315 = tpu.memref_slice %arg4[%add3A_303, %dma_start3A_314] : memref<819200x64xf32, #tpu.memory_space<hbm>> -> memref<256x64xf32, #tpu.memory_space<hbm>>
    %dma_start3A_316 = arith.constant 0 : i32
    %dma_start3A_317 = arith.constant 0 : i32
    %dma_start3A_318 = tpu.memref_slice %arg6[%dma_start3A_304, %dma_start3A_316, %dma_start3A_317] : memref<4x256x64xf32, #tpu.memory_space<vmem>> -> memref<1x256x64xf32, #tpu.memory_space<vmem>>
    %dma_start3A_319 = tpu.memref_squeeze %dma_start3A_318 : memref<1x256x64xf32, #tpu.memory_space<vmem>> -> memref<256x64xf32, #tpu.memory_space<vmem>>
    tpu.enqueue_dma source(%dma_start3A_319 : memref<256x64xf32, #tpu.memory_space<vmem>>) target(%dma_start3A_315 : memref<256x64xf32, #tpu.memory_space<hbm>>) target_semaphore(%dma_start3A_313 : memref<!tpu.dma_semaphore, #tpu.memory_space<semaphore_mem>>)
    %add3A_320 = arith.constant 24576 : i32
    %add3A_321 = arith.addi %mul3A_4, %add3A_320 : i32
    %dma_wait3A_322 = arith.constant 0 : i32
    %dma_wait3A_323 = arith.constant 0 : i32
    %dma_wait3A_324 = arith.constant 0 : i32
    %dma_wait3A_325 = arith.constant 0 : i32
    %dma_wait3A_326 = tpu.memref_slice %arg6[%dma_wait3A_322, %dma_wait3A_324, %dma_wait3A_325] : memref<4x256x64xf32, #tpu.memory_space<vmem>> -> memref<1x256x64xf32, #tpu.memory_space<vmem>>
    %dma_wait3A_327 = tpu.memref_squeeze %dma_wait3A_326 : memref<1x256x64xf32, #tpu.memory_space<vmem>> -> memref<256x64xf32, #tpu.memory_space<vmem>>
    %dma_wait3A_328 = arith.constant 0 : i32
    %dma_wait3A_329 = tpu.memref_slice %arg4[%add3A_321, %dma_wait3A_328] : memref<819200x64xf32, #tpu.memory_space<hbm>> -> memref<256x64xf32, #tpu.memory_space<hbm>>
    %dma_wait3A_330 = tpu.memref_slice %arg8[%dma_wait3A_323] : memref<4x!tpu.dma_semaphore, #tpu.memory_space<semaphore_mem>> -> memref<1x!tpu.dma_semaphore, #tpu.memory_space<semaphore_mem>>
    %dma_wait3A_331 = tpu.memref_squeeze %dma_wait3A_330 : memref<1x!tpu.dma_semaphore, #tpu.memory_space<semaphore_mem>> -> memref<!tpu.dma_semaphore, #tpu.memory_space<semaphore_mem>>
    %dma_wait3A_332 = arith.constant 0 : i32
    %dma_wait3A_333 = tpu.memref_slice %arg4[%add3A_321, %dma_wait3A_332] : memref<819200x64xf32, #tpu.memory_space<hbm>> -> memref<256x64xf32, #tpu.memory_space<hbm>>
    %dma_wait3A_334 = arith.constant 0 : i32
    %dma_wait3A_335 = arith.constant 0 : i32
    %dma_wait3A_336 = tpu.memref_slice %arg6[%dma_wait3A_322, %dma_wait3A_334, %dma_wait3A_335] : memref<4x256x64xf32, #tpu.memory_space<vmem>> -> memref<1x256x64xf32, #tpu.memory_space<vmem>>
    %dma_wait3A_337 = tpu.memref_squeeze %dma_wait3A_336 : memref<1x256x64xf32, #tpu.memory_space<vmem>> -> memref<256x64xf32, #tpu.memory_space<vmem>>
    tpu.wait_dma2 semaphore(%dma_wait3A_331 : memref<!tpu.dma_semaphore, #tpu.memory_space<semaphore_mem>>) src(%dma_wait3A_337 : memref<256x64xf32, #tpu.memory_space<vmem>>) dst(%dma_wait3A_333 : memref<256x64xf32, #tpu.memory_space<hbm>>)
    %add3A_338 = arith.constant 24832 : i32
    %add3A_339 = arith.addi %mul3A_4, %add3A_338 : i32
    %dma_wait3A_340 = arith.constant 1 : i32
    %dma_wait3A_341 = arith.constant 1 : i32
    %dma_wait3A_342 = arith.constant 0 : i32
    %dma_wait3A_343 = arith.constant 0 : i32
    %dma_wait3A_344 = tpu.memref_slice %arg6[%dma_wait3A_340, %dma_wait3A_342, %dma_wait3A_343] : memref<4x256x64xf32, #tpu.memory_space<vmem>> -> memref<1x256x64xf32, #tpu.memory_space<vmem>>
    %dma_wait3A_345 = tpu.memref_squeeze %dma_wait3A_344 : memref<1x256x64xf32, #tpu.memory_space<vmem>> -> memref<256x64xf32, #tpu.memory_space<vmem>>
    %dma_wait3A_346 = arith.constant 0 : i32
    %dma_wait3A_347 = tpu.memref_slice %arg4[%add3A_339, %dma_wait3A_346] : memref<819200x64xf32, #tpu.memory_space<hbm>> -> memref<256x64xf32, #tpu.memory_space<hbm>>
    %dma_wait3A_348 = tpu.memref_slice %arg8[%dma_wait3A_341] : memref<4x!tpu.dma_semaphore, #tpu.memory_space<semaphore_mem>> -> memref<1x!tpu.dma_semaphore, #tpu.memory_space<semaphore_mem>>
    %dma_wait3A_349 = tpu.memref_squeeze %dma_wait3A_348 : memref<1x!tpu.dma_semaphore, #tpu.memory_space<semaphore_mem>> -> memref<!tpu.dma_semaphore, #tpu.memory_space<semaphore_mem>>
    %dma_wait3A_350 = arith.constant 0 : i32
    %dma_wait3A_351 = tpu.memref_slice %arg4[%add3A_339, %dma_wait3A_350] : memref<819200x64xf32, #tpu.memory_space<hbm>> -> memref<256x64xf32, #tpu.memory_space<hbm>>
    %dma_wait3A_352 = arith.constant 0 : i32
    %dma_wait3A_353 = arith.constant 0 : i32
    %dma_wait3A_354 = tpu.memref_slice %arg6[%dma_wait3A_340, %dma_wait3A_352, %dma_wait3A_353] : memref<4x256x64xf32, #tpu.memory_space<vmem>> -> memref<1x256x64xf32, #tpu.memory_space<vmem>>
    %dma_wait3A_355 = tpu.memref_squeeze %dma_wait3A_354 : memref<1x256x64xf32, #tpu.memory_space<vmem>> -> memref<256x64xf32, #tpu.memory_space<vmem>>
    tpu.wait_dma2 semaphore(%dma_wait3A_349 : memref<!tpu.dma_semaphore, #tpu.memory_space<semaphore_mem>>) src(%dma_wait3A_355 : memref<256x64xf32, #tpu.memory_space<vmem>>) dst(%dma_wait3A_351 : memref<256x64xf32, #tpu.memory_space<hbm>>)
    %add3A_356 = arith.constant 25088 : i32
    %add3A_357 = arith.addi %mul3A_4, %add3A_356 : i32
    %dma_wait3A_358 = arith.constant 2 : i32
    %dma_wait3A_359 = arith.constant 2 : i32
    %dma_wait3A_360 = arith.constant 0 : i32
    %dma_wait3A_361 = arith.constant 0 : i32
    %dma_wait3A_362 = tpu.memref_slice %arg6[%dma_wait3A_358, %dma_wait3A_360, %dma_wait3A_361] : memref<4x256x64xf32, #tpu.memory_space<vmem>> -> memref<1x256x64xf32, #tpu.memory_space<vmem>>
    %dma_wait3A_363 = tpu.memref_squeeze %dma_wait3A_362 : memref<1x256x64xf32, #tpu.memory_space<vmem>> -> memref<256x64xf32, #tpu.memory_space<vmem>>
    %dma_wait3A_364 = arith.constant 0 : i32
    %dma_wait3A_365 = tpu.memref_slice %arg4[%add3A_357, %dma_wait3A_364] : memref<819200x64xf32, #tpu.memory_space<hbm>> -> memref<256x64xf32, #tpu.memory_space<hbm>>
    %dma_wait3A_366 = tpu.memref_slice %arg8[%dma_wait3A_359] : memref<4x!tpu.dma_semaphore, #tpu.memory_space<semaphore_mem>> -> memref<1x!tpu.dma_semaphore, #tpu.memory_space<semaphore_mem>>
    %dma_wait3A_367 = tpu.memref_squeeze %dma_wait3A_366 : memref<1x!tpu.dma_semaphore, #tpu.memory_space<semaphore_mem>> -> memref<!tpu.dma_semaphore, #tpu.memory_space<semaphore_mem>>
    %dma_wait3A_368 = arith.constant 0 : i32
    %dma_wait3A_369 = tpu.memref_slice %arg4[%add3A_357, %dma_wait3A_368] : memref<819200x64xf32, #tpu.memory_space<hbm>> -> memref<256x64xf32, #tpu.memory_space<hbm>>
    %dma_wait3A_370 = arith.constant 0 : i32
    %dma_wait3A_371 = arith.constant 0 : i32
    %dma_wait3A_372 = tpu.memref_slice %arg6[%dma_wait3A_358, %dma_wait3A_370, %dma_wait3A_371] : memref<4x256x64xf32, #tpu.memory_space<vmem>> -> memref<1x256x64xf32, #tpu.memory_space<vmem>>
    %dma_wait3A_373 = tpu.memref_squeeze %dma_wait3A_372 : memref<1x256x64xf32, #tpu.memory_space<vmem>> -> memref<256x64xf32, #tpu.memory_space<vmem>>
    tpu.wait_dma2 semaphore(%dma_wait3A_367 : memref<!tpu.dma_semaphore, #tpu.memory_space<semaphore_mem>>) src(%dma_wait3A_373 : memref<256x64xf32, #tpu.memory_space<vmem>>) dst(%dma_wait3A_369 : memref<256x64xf32, #tpu.memory_space<hbm>>)
    %add3A_374 = arith.constant 25344 : i32
    %add3A_375 = arith.addi %mul3A_4, %add3A_374 : i32
    %dma_wait3A_376 = arith.constant 3 : i32
    %dma_wait3A_377 = arith.constant 3 : i32
    %dma_wait3A_378 = arith.constant 0 : i32
    %dma_wait3A_379 = arith.constant 0 : i32
    %dma_wait3A_380 = tpu.memref_slice %arg6[%dma_wait3A_376, %dma_wait3A_378, %dma_wait3A_379] : memref<4x256x64xf32, #tpu.memory_space<vmem>> -> memref<1x256x64xf32, #tpu.memory_space<vmem>>
    %dma_wait3A_381 = tpu.memref_squeeze %dma_wait3A_380 : memref<1x256x64xf32, #tpu.memory_space<vmem>> -> memref<256x64xf32, #tpu.memory_space<vmem>>
    %dma_wait3A_382 = arith.constant 0 : i32
    %dma_wait3A_383 = tpu.memref_slice %arg4[%add3A_375, %dma_wait3A_382] : memref<819200x64xf32, #tpu.memory_space<hbm>> -> memref<256x64xf32, #tpu.memory_space<hbm>>
    %dma_wait3A_384 = tpu.memref_slice %arg8[%dma_wait3A_377] : memref<4x!tpu.dma_semaphore, #tpu.memory_space<semaphore_mem>> -> memref<1x!tpu.dma_semaphore, #tpu.memory_space<semaphore_mem>>
    %dma_wait3A_385 = tpu.memref_squeeze %dma_wait3A_384 : memref<1x!tpu.dma_semaphore, #tpu.memory_space<semaphore_mem>> -> memref<!tpu.dma_semaphore, #tpu.memory_space<semaphore_mem>>
    %dma_wait3A_386 = arith.constant 0 : i32
    %dma_wait3A_387 = tpu.memref_slice %arg4[%add3A_375, %dma_wait3A_386] : memref<819200x64xf32, #tpu.memory_space<hbm>> -> memref<256x64xf32, #tpu.memory_space<hbm>>
    %dma_wait3A_388 = arith.constant 0 : i32
    %dma_wait3A_389 = arith.constant 0 : i32
    %dma_wait3A_390 = tpu.memref_slice %arg6[%dma_wait3A_376, %dma_wait3A_388, %dma_wait3A_389] : memref<4x256x64xf32, #tpu.memory_space<vmem>> -> memref<1x256x64xf32, #tpu.memory_space<vmem>>
    %dma_wait3A_391 = tpu.memref_squeeze %dma_wait3A_390 : memref<1x256x64xf32, #tpu.memory_space<vmem>> -> memref<256x64xf32, #tpu.memory_space<vmem>>
    tpu.wait_dma2 semaphore(%dma_wait3A_385 : memref<!tpu.dma_semaphore, #tpu.memory_space<semaphore_mem>>) src(%dma_wait3A_391 : memref<256x64xf32, #tpu.memory_space<vmem>>) dst(%dma_wait3A_387 : memref<256x64xf32, #tpu.memory_space<hbm>>)
    return
  }
}

</mosaic_0001>

<sc_bundles>
// kernel: kernel.3.cloned.1.call-start
scs
__scs_entry_jumppad:
0x0: {  	(pc) =	sbr.rel $0x88, $3  }
0x1: {  	(tag) =	ssettag $0x0;
	lr =	simm.s32 $0x1  }
0x2: {  	[smem:$0x3F9F] =	sst lr;
	_ =	strace $0xD0000000  }
0x3: {  	_ = 	snop  }
0x4: {  	_ = 	snop  }
0x5: {  	_ = 	snop  }
0x6: {  	_ = 	snop  }
0x7: {  	_ = 	snop  }
__scs_overlays_trampoline_lowered:
0x8: {  	[smem:$0x3FAE] =	sst s0  }
0x9: {  	[smem:$0x3FAF] =	sst s1  }
0xa: {  	[smem:$0x3FB0] =	sst s2  }
0xb: {  	[smem:$0x3FB1] =	sst s3  }
0xc: {  	[smem:$0x3FB2] =	sst s4  }
0xd: {  	[smem:$0x3FB3] =	sst s5  }
0xe: {  	[smem:$0x3FB4] =	sst s6  }
0xf: {  	[smem:$0x3FB5] =	sst s7  }
0x10: {  	[smem:$0x3FB6] =	sst s8  }
0x11: {  	[smem:$0x3FB7] =	sst s9;
	s0 =	simm.s32 @!p0 $0x0  }
0x12: {  	s1 =	sld [smem:$0x3F9D];
	s0 =	simm.s32 @p0 $0x1  }
0x13: {  	[smem:$0x3FB8] =	sst s0;
	s0 =	simm.s32 @!p1 $0x0  }
0x14: {  	s2 =	sld [smem:$0x3F9C];
	s0 =	simm.s32 @p1 $0x1  }
0x15: {  	[smem:$0x3FB9] =	sst s0;
	s0 =	simm.s32 @!p2 $0x0  }
0x16: {  	s3 =	sld [smem:$0x3FDB];
	s0 =	simm.s32 @p2 $0x1  }
0x17: {  	s4 =	simm.s32 $0x1BF5;
	[smem:$0x3FBB] =	sst s0  }
0x18: {  	s0 =	sld [smem:$0x3F9E];
	_ =	swait.ge [sflag:s4], $0x0  }
0x19: {  	s7 =	sld [smem:$0x3F9F]  }
0x1a: {  	s8 =	sadd.s32 $0xFFFFE003, lr  }
0x1b: {  	s9 =	sadd.s32 $0xFFFFFEF7, lr;
	s5 =	simm.s32 $0xFFFFFFFF;
	p2 =	slt.u32 s8, $0xFFFFF086  }
0x1c: {  	p1 =	slt.u32 s9, $0xF7A;
	s5 =	simm.s32 @!p2 $0x0  }
0x1d: {  	s5 =	simm.s32 @p1 $0x1;
	p0 =	seq.s32 s7, s2  }
0x1e: {  	s7 =	smul.u32 @!p0 $0xF7A, s2;
	p2 =	seq.s32 @!p0 s5, $0x0  }
0x1f: {  	s9 =	smul.u32 $0xF7A, s1;
	s8 =	simm.s32 @!p0 $0x1BF5;
	p2 =	por !p2, p0  }
0x20: {  	[sflag:s8] =	ssyncset.s32 @!p0 $0xFFFFF086;
	s6 =	sadd.s32 @!p0 s3, s7;
	s7 =	simm.s32 @!p0 $0x108  }
0x21: {  	s3 =	sadd.s32 s3, s9;
	s6 =	sadd.s32 @!p0 $0x88, s6;
	s7 =	simm.s32 @p2 $0x1082  }
0x22: {  	[simem:s7], [sflag:s8] =	dma.local @!p0 [hbm:s6], $0xF7A  }
0x23: {  	s9 =	sor.u32 $0xD0000000, s2;
	s6 =	simm.s32 $0x108;
	_ =	swait.ge @!p0 [sflag:s8], $0x0  }
0x24: {  	s3 =	sadd.s32 $0x88, s3;
	s6 =	simm.s32 @!p1 $0x1082;
	[sflag:s4] =	ssyncset.s32 $0xFFFFF086  }
0x25: {  	[simem:s6], [sflag:s4] =	dma.local [hbm:s3], $0xF7A  }
0x26: {  	[smem:$0x3F9F] =	sst s1;
	(tag) =	ssettag s2;
	_ =	strace s9  }
0x27: {  	s1 =	sld [smem:$0x3FAF]  }
0x28: {  	s2 =	sld [smem:$0x3FB0]  }
0x29: {  	s4 =	sld [smem:$0x3FB2]  }
0x2a: {  	p0 =	seq.s32 s5, $0x0;
	s5 =	sld [smem:$0x3FB3]  }
0x2b: {  	s6 =	sld [smem:$0x3FB4]  }
0x2c: {  	s7 =	sld [smem:$0x3FB5]  }
0x2d: {  	s3 =	simm.s32 $0x108;
	s8 =	sld [smem:$0x3FB6]  }
0x2e: {  	s3 =	simm.s32 @!p0 $0x1082;
	s9 =	sld [smem:$0x3FB7]  }
0x2f: {  	lr =	sadd.s32 s0, s3;
	s0 =	sld [smem:$0x3FAE]  }
0x30: {  	s3 =	sld [smem:$0x3FB1]  }
0x31: {  	[smem:$0x3FBA] =	sst s10  }
0x32: {  	s10 =	sld [smem:$0x3FB8];
	_ =	sdelay $0x3  }
0x33: {  	p0 =	seq.s32 s10, $0x1;
	s10 =	sld [smem:$0x3FBA];
	_ =	sdelay $0x3  }
0x34: {  	[smem:$0x3FBA] =	sst s10  }
0x35: {  	s10 =	sld [smem:$0x3FB9];
	_ =	sdelay $0x3  }
0x36: {  	p1 =	seq.s32 s10, $0x1;
	s10 =	sld [smem:$0x3FBA];
	_ =	sdelay $0x3  }
0x37: {  	[smem:$0x3FBA] =	sst s10  }
0x38: {  	s10 =	sld [smem:$0x3FBB]  }
0x39: {  	_ = 	snop;
	(pc) =	sbr.ind lr, $3  }
0x3a: {  	_ = 	snop  }
0x3b: {  	_ = 	snop  }
0x3c: {  	p2 =	seq.s32 s10, $0x1;
	s10 =	sld [smem:$0x3FBA]  }
0x3d: {  	_ =	shalt  }
0x3e: {  	_ =	shalt  }
0x3f: {  	_ =	shalt  }
0x40: {  	_ =	shalt  }
0x41: {  	_ =	shalt  }
0x42: {  	_ =	shalt  }
0x43: {  	_ =	shalt  }
0x44: {  	_ =	shalt  }
0x45: {  	_ =	shalt  }
0x46: {  	_ =	shalt  }
0x47: {  	_ =	shalt  }
0x48: {  	_ =	shalt  }
0x49: {  	_ =	shalt  }
0x4a: {  	_ =	shalt  }
0x4b: {  	_ =	shalt  }
0x4c: {  	_ =	shalt  }
0x4d: {  	_ =	shalt  }
0x4e: {  	_ =	shalt  }
0x4f: {  	_ =	shalt  }
0x50: {  	_ =	shalt  }
0x51: {  	_ =	shalt  }
0x52: {  	_ =	shalt  }
0x53: {  	_ =	shalt  }
0x54: {  	_ =	shalt  }
0x55: {  	_ =	shalt  }
0x56: {  	_ =	shalt  }
0x57: {  	_ =	shalt  }
0x58: {  	_ =	shalt  }
0x59: {  	_ =	shalt  }
0x5a: {  	_ =	shalt  }
0x5b: {  	_ =	shalt  }
0x5c: {  	_ =	shalt  }
0x5d: {  	_ =	shalt  }
0x5e: {  	_ =	shalt  }
0x5f: {  	_ =	shalt  }
0x60: {  	_ =	shalt  }
0x61: {  	_ =	shalt  }
0x62: {  	_ =	shalt  }
0x63: {  	_ =	shalt  }
0x64: {  	_ =	shalt  }
0x65: {  	_ =	shalt  }
0x66: {  	_ =	shalt  }
0x67: {  	_ =	shalt  }
0x68: {  	_ =	shalt  }
0x69: {  	_ =	shalt  }
0x6a: {  	_ =	shalt  }
0x6b: {  	_ =	shalt  }
0x6c: {  	_ =	shalt  }
0x6d: {  	_ =	shalt  }
0x6e: {  	_ =	shalt  }
0x6f: {  	_ =	shalt  }
0x70: {  	_ =	shalt  }
0x71: {  	_ =	shalt  }
0x72: {  	_ =	shalt  }
0x73: {  	_ =	shalt  }
0x74: {  	_ =	shalt  }
0x75: {  	_ =	shalt  }
0x76: {  	_ =	shalt  }
0x77: {  	_ =	shalt  }
0x78: {  	_ =	shalt  }
0x79: {  	_ =	shalt  }
0x7a: {  	_ =	shalt  }
0x7b: {  	_ =	shalt  }
0x7c: {  	_ =	shalt  }
0x7d: {  	_ =	shalt  }
0x7e: {  	_ =	shalt  }
0x7f: {  	_ =	shalt  }
0x80: {  	_ =	shalt  }
0x81: {  	_ =	shalt  }
0x82: {  	_ =	shalt  }
0x83: {  	_ =	shalt  }
0x84: {  	_ =	shalt  }
0x85: {  	_ =	shalt  }
0x86: {  	_ =	shalt  }
0x87: {  	_ =	shalt  }
.Lfunc_end0:
.L_simem_size_0:
called_computation.1_lowered:
.L_overlay_start_0:
0x88: {  	s2 =	sld [smem:$0x3FD9]  }
0x89: {  	s3 =	sld [smem:$0x3FFE];
	_ =	sdelay $0x1  }
0x8a: {  	s1 =	srdreg.scid  }
0x8b: {  	s0 =	sand.u32 $0x1, s1  }
0x8c: {  	s17 =	sshll.u32 s0, $0xA;
	s2 =	sadd.s32 s3, s2  }
0x8d: {  	s2 =	sadd.s32 s2, s17  }
0x8e: {  	[smem:$0x3FC6] =	sst s2  }
0x8f: {  	_ = 	snop  }
0x90: {  	s2 =	sld [smem:$0x3FD0];
	(tm) =	ssettm $0x1  }
0x91: {  	s18 =	sld [smem:$0x3FFB];
	_ =	sdelay $0x3  }
0x92: {  	_ =	strace s18  }
0x93: {  	s3 =	sld [smem:$0x3FFC];
	_ =	sdelay $0x3  }
0x94: {  	_ =	strace s3  }
0x95: {  	s3 =	sld [smem:$0x3FFD];
	_ =	sdelay $0x3  }
0x96: {  	_ =	strace s3  }
0x97: {  	_ =	strace $0x8FFFFFFF  }
0x98: {  	s19 =	sld [smem:$0x3FDB];
	_ =	sdelay $0x1  }
0x99: {  	s4 =	simm.s32 $_scs_section_size  }
0x9a: {  	s5 =	simm.s32 $_size__tile_overlayer_lowered;
	s6 =	simm.s32 $_tile_overlayer_lowered  }
0x9b: {  	s22 =	simm.s32 $0x1BFF;
	s21 =	sshll.u32 s6, $0x1;
	s3 =	sadd.s32 s4, s19  }
0x9c: {  	s7 =	simm.s32 $0x0;
	s20 =	sshll.u32 s5, $0x1;
	s5 =	sadd.s32 s21, s3  }
0x9d: {  	[timem:s7], [sflag:s22] =	dma.local [hbm:s5], s20  }
0x9e: {  	_ =	swait.ge [sflag:s22], s20  }
0x9f: {  	s4 =	ssub.s32 $0x0, s20;
	[sflag:s22] =	ssyncset.done $0x0  }
0xa0: {  	[sflag:s22] =	ssyncadd.s32 s4;
	_ =	sdelay $0x1  }
0xa1: {  	s23 =	simm.s32 $0x1B8B  }
0xa2: {  	_ =	swait.ge [sflag:s23], $0x1  }
0xa3: {  	[sflag:s23] =	ssyncset.done $0x0  }
0xa4: {  	s25 =	simm.s32 $0x1B8E;
	s24 =	sld [smem:$0x3FFE];
	[sflag:s23] =	ssyncadd.s32 $0xFFFFFFFF  }
0xa5: {  	s26 =	simm.s32 $execute0_lowered;
	[smem:$0x3FD2] =	sst s25  }
0xa6: {  	s5 =	sshll.u32 s26, $0x1;
	_ =	strace $0x80000046;
	[dreg:$0x1] =	wrdreg $0xFFFFFFFF  }
0xa7: {  	s28 =	simm.s32 $_size_execute0_lowered;
	s3 =	sadd.s32 s3, s5;
	[dreg:$0x0] =	wrdreg $0x0  }
0xa8: {  	s5 =	sshll.u32 s28, $0x1;
	[dreg:$0x2] =	wrdreg s3  }
0xa9: {  	[dreg:$0x3] =	wrdreg s5  }
0xaa: {  	[dreg:$0x4] =	wrdreg $0xC0  }
0xab: {  	_ =	task [dreg:s7], $0x5FFFF  }
0xac: {  	[dreg:$0x1] =	wrdreg $0xFFFFFFFF  }
0xad: {  	[dreg:$0x0] =	wrdreg $0x60  }
0xae: {  	[dreg:$0x2] =	wrdreg s24  }
0xaf: {  	[dreg:$0x3] =	wrdreg s2  }
0xb0: {  	[dreg:$0x4] =	wrdreg $0x9  }
0xb1: {  	_ =	task.clear_ibuf [dreg:s7], $0x5FFFF;
	_ =	strace $0x90000046  }
0xb2: {  	s29 =	simm.s32 $0x9;
	_ =	strace $0x80000048  }
0xb3: {  	_ =	swait.ge [sflag:s29], $0x1  }
0xb4: {  	[sflag:s29] =	ssyncadd.s32 $0xFFFFFFFF  }
0xb5: {  	_ =	strace $0x90000048  }
0xb6: {  	_ =	sfence  }
0xb7: {  	s30 =	sld [smem:$0x0];
	_ =	sdelay $0x2  }
0xb8: {  	s31 =	sshll.u32 s1, $0xD;
	s1 =	sshrl.u32 s1, $0x2  }
0xb9: {  	s3 =	sand.u32 $0x4000, s31;
	s1 =	sadd.s32 s1, s30  }
0xba: {  	s0 =	sor.u32 s3, s0;
	s1 =	sshll.u32 s1, $0x11  }
0xbb: {  	s0 =	sor.u32 s1, s0  }
0xbc: {  	s0 =	sadd.s32 $0x8F2B, s0  }
0xbd: {  	[sflag:s0] =	ssyncadd.remote.s32 $0x1  }
0xbe: {  	_ =	sfence.sel $0xFFFF  }
0xbf: {  	[dreg:$0x0] =	wrdreg $0xFFFFFFFF;
	(pc) =	sbr.abs _section_cstart, $3  }
0xc0: {  	[dreg:$0x1] =	wrdreg $0xFFFFFFFF  }
0xc1: {  	_ =	task.clear_ibuf [dreg:s7], $0x2FFFF;
	_ =	strace $0x9FFFFFFF  }
0xc2: {  	(tm) =	ssettm $0x7FFFFFFF  }
0xc3: {  	_ =	shalt  }
tec
execute0_lowered:
.L_overlay_start_1:
0x0: {  	(tag) =	ssettag $0x1  }
0x1: {  	s0 =	rddreg [dreg:$0x0]  }
0x2: {  	s1 =	rddreg [dreg:$0x1];
	s3 =	srdreg.scid  }
0x3: {  	s9 =	stileid.u32;
	s2 =	simm.s32 $0x0;
	s15 =	simm.s32 $0x80  }
0x4: {  	s16 =	simm.s32 $0x6400;
	s28 =	simm.s32 $0x12400;
	s30 =	simm.s32 $0x14400  }
0x5: {  	s31 =	simm.s32 $0x1;
	s29 =	simm.s32 $0x0;
	s8 =	smul.u32 $0x320000, s9  }
0x6: {  	s4 =	sand.u32 $0x1, s3;
	s17 =	sshll.u32 s9, $0x1;
	s9 =	smul.u32 $0xC800, s9  }
0x7: {  	[smem:$0x7FF] =	sst s2;
	s3 =	sadd.s32 $0xF42E00, s0;
	s19 =	smul.u32 $0x6400, s4  }
0x8: {  	s5 =	sor.u32 s4, s17;
	s7 =	ssub.s32 $0x2, s4;
	s4 =	smul.u32 $0x190000, s4  }
0x9: {  	_ =	strace $0x80000047;
	s17 =	simm.s32 $0x8400;
	s6 =	smul.u32 $0x6400, s5  }
0xa: {  	s5 =	smul.u32 $0x190000, s5;
	s18 =	sshrl.u32 s7, $0x1;
	s22 =	sadd.s32 s19, s9  }
0xb: {  	s4 =	sadd.s32 s4, s8;
	s19 =	simm.s32 $0xA400;
	s6 =	sshrl.u32 s6, $0x3  }
0xc: {  	s5 =	sshrl.u32 s5, $0x3;
	s24 =	sshrl.u32 s4, $0x3;
	s0 =	sadd.s32 s6, s0  }
0xd: {  	s6 =	ssub.s32 s7, s18;
	s20 =	sadd.s32 s1, s5;
	s0 =	sadd.s32 $0xA00, s0  }
0xe: {  	s10 =	sadd.s32 s24, s1;
	s5 =	sadd.s32 $0x30000, s20;
	[dreg:$0x3] =	wrdreg s0  }
0xf: {  	s18 =	simm.s32 $0x4;
	s21 =	sadd.s32 $0x30800, s20;
	[dreg:$0x4] =	wrdreg s5  }
0x10: {  	s24 =	simm.s32 $0x7;
	s23 =	sadd.s32 $0x31000, s20;
	[dreg:$0x5] =	wrdreg s21  }
0x11: {  	s26 =	smax.u32 s6, $0x1;
	[dreg:$0x6] =	wrdreg s23;
	s5 =	sshll.u32 s22, $0x3  }
0x12: {  	s0 =	sadd.s32 $0x31800, s20;
	[dreg:$0x8] =	wrdreg s26;
	s21 =	simm.s32 $0xC400  }
0x13: {  	s23 =	simm.s32 $0xE400;
	s20 =	simm.s32 $0x5;
	s22 =	simm.s32 $0x6  }
0x14: {  	s26 =	simm.s32 $0x8;
	[dreg:$0x7] =	wrdreg s0;
	s25 =	sadd.s32 s5, s1  }
0x15: {  	s0 =	simm.s32 $0x2;
	s1 =	simm.s32 $0x3;
	s11 =	sadd.s32 $0x1800, s25  }
0x16: {  	s12 =	sadd.s32 $0x1000, s25;
	s13 =	sadd.s32 $0x800, s25;
	s25 =	simm.s32 $0x10400  }
.LBB2_1:
0x17: {  	s4 =	rddreg [dreg:$0x3];
	s9 =	simm.s32 $0x9  }
0x18: {  	[tilespmem:s2], [sflag:$0x9] =	stream.linear.gather [hbm4b:s4+s2], $0x6400, $0x38;
	[tilespmem:$0x16400] =	vst v63  }
0x19: {  	_ =	swait.ge [sflag:s9], $0x6400  }
0x1a: {  	[sflag:s9] =	ssyncset.done $0x0  }
0x1b: {  	[sflag:s9] =	ssyncadd.s32 $0xFFFF9C00  }
0x1c: {  	[tilespmem:s16], [sflag:$0x1] =	stream.indirect.gather [hbm4b:s3+s15], $0x40, s2, s15, $0xb8;
	[tilespmem:$0x16400] =	vst v63  }
0x1d: {  	_ = 	snop  }
0x1e: {  	[tilespmem:s17], [sflag:$0x1] =	stream.indirect.gather [hbm4b:s3+s15], $0x40, s15, s15, $0xb8;
	[tilespmem:$0x16400] =	vst v63  }
0x1f: {  	s14 =	simm.s32 $0x100  }
0x20: {  	[tilespmem:s19], [sflag:$0x2] =	stream.indirect.gather [hbm4b:s3+s15], $0x40, s14, s15, $0xb8;
	[tilespmem:$0x16400] =	vst v63  }
0x21: {  	s5 =	simm.s32 $0x180  }
0x22: {  	[tilespmem:s21], [sflag:$0x2] =	stream.indirect.gather [hbm4b:s3+s15], $0x40, s5, s15, $0xb8;
	[tilespmem:$0x16400] =	vst v63  }
0x23: {  	s6 =	simm.s32 $0x200  }
0x24: {  	[tilespmem:s23], [sflag:$0x3] =	stream.indirect.gather [hbm4b:s3+s15], $0x40, s6, s15, $0xb8;
	[tilespmem:$0x16400] =	vst v63  }
0x25: {  	s7 =	simm.s32 $0x280  }
0x26: {  	[tilespmem:s25], [sflag:$0x3] =	stream.indirect.gather [hbm4b:s3+s15], $0x40, s7, s15, $0xb8;
	[tilespmem:$0x16400] =	vst v63  }
0x27: {  	s8 =	simm.s32 $0x300  }
0x28: {  	[tilespmem:s28], [sflag:$0x4] =	stream.indirect.gather [hbm4b:s3+s15], $0x40, s8, s15, $0xb8;
	[tilespmem:$0x16400] =	vst v63  }
0x29: {  	s9 =	simm.s32 $0x380  }
0x2a: {  	[tilespmem:s30], [sflag:$0x4] =	stream.indirect.gather [hbm4b:s3+s15], $0x40, s9, s15, $0xb8;
	[tilespmem:$0x16400] =	vst v63  }
0x2b: {  	_ =	swait.ge [sflag:s31], $0x2000  }
0x2c: {  	[sflag:s31] =	ssyncset.done $0x0  }
0x2d: {  	[sflag:s31] =	ssyncadd.s32 $0xFFFFE000  }
0x2e: {  	_ =	swait.ge [sflag:s31], $0x2000  }
0x2f: {  	[sflag:s31] =	ssyncset.done $0x0  }
0x30: {  	[sflag:s31] =	ssyncadd.s32 $0xFFFFE000  }
0x31: {  	[hbm4b:s10+s2] =	stream.linear.scatter [tilespmem:s16], [sflag:$0x5], $0x4000, $0x38;
	[tilespmem:$0x16400] =	vst v63  }
0x32: {  	_ =	swait.ge [sflag:s0], $0x2000  }
0x33: {  	[sflag:s0] =	ssyncset.done $0x0  }
0x34: {  	[sflag:s0] =	ssyncadd.s32 $0xFFFFE000  }
0x35: {  	_ =	swait.ge [sflag:s0], $0x2000  }
0x36: {  	[sflag:s0] =	ssyncset.done $0x0  }
0x37: {  	[sflag:s0] =	ssyncadd.s32 $0xFFFFE000  }
0x38: {  	[hbm4b:s13+s2] =	stream.linear.scatter [tilespmem:s19], [sflag:$0x6], $0x4000, $0x38;
	[tilespmem:$0x16400] =	vst v63  }
0x39: {  	_ =	swait.ge [sflag:s1], $0x2000  }
0x3a: {  	[sflag:s1] =	ssyncset.done $0x0  }
0x3b: {  	[sflag:s1] =	ssyncadd.s32 $0xFFFFE000  }
0x3c: {  	_ =	swait.ge [sflag:s1], $0x2000  }
0x3d: {  	[sflag:s1] =	ssyncset.done $0x0  }
0x3e: {  	[sflag:s1] =	ssyncadd.s32 $0xFFFFE000  }
0x3f: {  	[hbm4b:s12+s2] =	stream.linear.scatter [tilespmem:s23], [sflag:$0x7], $0x4000, $0x38;
	[tilespmem:$0x16400] =	vst v63  }
0x40: {  	_ =	swait.ge [sflag:s18], $0x2000  }
0x41: {  	[sflag:s18] =	ssyncset.done $0x0  }
0x42: {  	[sflag:s18] =	ssyncadd.s32 $0xFFFFE000  }
0x43: {  	_ =	swait.ge [sflag:s18], $0x2000  }
0x44: {  	[sflag:s18] =	ssyncset.done $0x0  }
0x45: {  	[sflag:s18] =	ssyncadd.s32 $0xFFFFE000  }
0x46: {  	[hbm4b:s11+s2] =	stream.linear.scatter [tilespmem:s28], [sflag:$0x8], $0x4000, $0x38;
	[tilespmem:$0x16400] =	vst v63  }
0x47: {  	_ =	swait.ge [sflag:s20], $0x4000  }
0x48: {  	[sflag:s20] =	ssyncset.done $0x0  }
0x49: {  	s14 =	simm.s32 $0x400;
	[sflag:s20] =	ssyncadd.s32 $0xFFFFC000  }
0x4a: {  	[tilespmem:s16], [sflag:$0x1] =	stream.indirect.gather [hbm4b:s3+s15], $0x40, s14, s15, $0xb8;
	[tilespmem:$0x16400] =	vst v63  }
0x4b: {  	s5 =	simm.s32 $0x480  }
0x4c: {  	[tilespmem:s17], [sflag:$0x1] =	stream.indirect.gather [hbm4b:s3+s15], $0x40, s5, s15, $0xb8;
	[tilespmem:$0x16400] =	vst v63  }
0x4d: {  	_ =	swait.ge [sflag:s22], $0x4000  }
0x4e: {  	[sflag:s22] =	ssyncset.done $0x0  }
0x4f: {  	s6 =	simm.s32 $0x500;
	[sflag:s22] =	ssyncadd.s32 $0xFFFFC000  }
0x50: {  	[tilespmem:s19], [sflag:$0x2] =	stream.indirect.gather [hbm4b:s3+s15], $0x40, s6, s15, $0xb8;
	[tilespmem:$0x16400] =	vst v63  }
0x51: {  	s7 =	simm.s32 $0x580  }
0x52: {  	[tilespmem:s21], [sflag:$0x2] =	stream.indirect.gather [hbm4b:s3+s15], $0x40, s7, s15, $0xb8;
	[tilespmem:$0x16400] =	vst v63  }
0x53: {  	_ =	swait.ge [sflag:s24], $0x4000  }
0x54: {  	[sflag:s24] =	ssyncset.done $0x0  }
0x55: {  	s8 =	simm.s32 $0x600;
	[sflag:s24] =	ssyncadd.s32 $0xFFFFC000  }
0x56: {  	[tilespmem:s23], [sflag:$0x3] =	stream.indirect.gather [hbm4b:s3+s15], $0x40, s8, s15, $0xb8;
	[tilespmem:$0x16400] =	vst v63  }
0x57: {  	s4 =	simm.s32 $0x1000;
	s9 =	simm.s32 $0x680  }
0x58: {  	[tilespmem:s25], [sflag:$0x3] =	stream.indirect.gather [hbm4b:s3+s15], $0x40, s9, s15, $0xb8;
	[tilespmem:$0x16400] =	vst v63  }
0x59: {  	s14 =	simm.s32 $0x700;
	s5 =	sadd.s32 $0x2000, s13;
	_ =	swait.ge [sflag:s26], $0x4000  }
0x5a: {  	s6 =	sadd.s32 $0x2000, s12;
	s7 =	sadd.s32 $0x2000, s10;
	[sflag:s26] =	ssyncset.done $0x0  }
0x5b: {  	s8 =	sadd.s32 $0x2000, s11;
	s9 =	simm.s32 $0x780;
	[sflag:s26] =	ssyncadd.s32 $0xFFFFC000  }
0x5c: {  	[tilespmem:s28], [sflag:$0x4] =	stream.indirect.gather [hbm4b:s3+s15], $0x40, s14, s15, $0xb8;
	[tilespmem:$0x16400] =	vst v63  }
.LBB2_2:
0x5d: {  	[tilespmem:s30], [sflag:$0x4] =	stream.indirect.gather [hbm4b:s3+s15], $0x40, s9, s15, $0xb8;
	[tilespmem:$0x16400] =	vst v63  }
0x5e: {  	s9 =	smov.u32 s4  }
0x5f: {  	p0 =	sne.s32 s4, $0x17000;
	s4 =	sadd.s32 $0x1000, s4;
	_ =	swait.ge [sflag:s31], $0x2000  }
0x60: {  	[sflag:s31] =	ssyncset.done $0x0  }
0x61: {  	[sflag:s31] =	ssyncadd.s32 $0xFFFFE000  }
0x62: {  	_ =	swait.ge [sflag:s31], $0x2000  }
0x63: {  	[sflag:s31] =	ssyncset.done $0x0  }
0x64: {  	[sflag:s31] =	ssyncadd.s32 $0xFFFFE000  }
0x65: {  	[hbm4b:s7+s2] =	stream.linear.scatter [tilespmem:s16], [sflag:$0x5], $0x4000, $0x38;
	[tilespmem:$0x16400] =	vst v63  }
0x66: {  	_ =	swait.ge [sflag:s0], $0x2000  }
0x67: {  	[sflag:s0] =	ssyncset.done $0x0  }
0x68: {  	[sflag:s0] =	ssyncadd.s32 $0xFFFFE000  }
0x69: {  	_ =	swait.ge [sflag:s0], $0x2000  }
0x6a: {  	[sflag:s0] =	ssyncset.done $0x0  }
0x6b: {  	[sflag:s0] =	ssyncadd.s32 $0xFFFFE000  }
0x6c: {  	[hbm4b:s5+s2] =	stream.linear.scatter [tilespmem:s19], [sflag:$0x6], $0x4000, $0x38;
	[tilespmem:$0x16400] =	vst v63  }
0x6d: {  	_ =	swait.ge [sflag:s1], $0x2000  }
0x6e: {  	[sflag:s1] =	ssyncset.done $0x0  }
0x6f: {  	[sflag:s1] =	ssyncadd.s32 $0xFFFFE000  }
0x70: {  	_ =	swait.ge [sflag:s1], $0x2000  }
0x71: {  	[sflag:s1] =	ssyncset.done $0x0  }
0x72: {  	[sflag:s1] =	ssyncadd.s32 $0xFFFFE000  }
0x73: {  	[hbm4b:s6+s2] =	stream.linear.scatter [tilespmem:s23], [sflag:$0x7], $0x4000, $0x38;
	[tilespmem:$0x16400] =	vst v63  }
0x74: {  	_ =	swait.ge [sflag:s18], $0x2000  }
0x75: {  	[sflag:s18] =	ssyncset.done $0x0  }
0x76: {  	[sflag:s18] =	ssyncadd.s32 $0xFFFFE000  }
0x77: {  	_ =	swait.ge [sflag:s18], $0x2000  }
0x78: {  	[sflag:s18] =	ssyncset.done $0x0  }
0x79: {  	[sflag:s18] =	ssyncadd.s32 $0xFFFFE000  }
0x7a: {  	[hbm4b:s8+s2] =	stream.linear.scatter [tilespmem:s28], [sflag:$0x8], $0x4000, $0x38;
	[tilespmem:$0x16400] =	vst v63  }
0x7b: {  	_ =	swait.ge [sflag:s20], $0x4000  }
0x7c: {  	s9 =	sshra.s32 s9, $0x2;
	[sflag:s20] =	ssyncset.done $0x0  }
0x7d: {  	s14 =	sadd.s32 $0x400, s9;
	[sflag:s20] =	ssyncadd.s32 $0xFFFFC000  }
0x7e: {  	[tilespmem:s16], [sflag:$0x1] =	stream.indirect.gather [hbm4b:s3+s15], $0x40, s14, s15, $0xb8;
	[tilespmem:$0x16400] =	vst v63  }
0x7f: {  	s14 =	sadd.s32 $0x480, s9  }
0x80: {  	[tilespmem:s17], [sflag:$0x1] =	stream.indirect.gather [hbm4b:s3+s15], $0x40, s14, s15, $0xb8;
	[tilespmem:$0x16400] =	vst v63  }
0x81: {  	_ =	swait.ge [sflag:s22], $0x4000  }
0x82: {  	[sflag:s22] =	ssyncset.done $0x0  }
0x83: {  	s14 =	sadd.s32 $0x500, s9;
	[sflag:s22] =	ssyncadd.s32 $0xFFFFC000  }
0x84: {  	[tilespmem:s19], [sflag:$0x2] =	stream.indirect.gather [hbm4b:s3+s15], $0x40, s14, s15, $0xb8;
	[tilespmem:$0x16400] =	vst v63  }
0x85: {  	s14 =	sadd.s32 $0x580, s9  }
0x86: {  	[tilespmem:s21], [sflag:$0x2] =	stream.indirect.gather [hbm4b:s3+s15], $0x40, s14, s15, $0xb8;
	[tilespmem:$0x16400] =	vst v63  }
0x87: {  	_ =	swait.ge [sflag:s24], $0x4000  }
0x88: {  	[sflag:s24] =	ssyncset.done $0x0  }
0x89: {  	s14 =	sadd.s32 $0x600, s9;
	[sflag:s24] =	ssyncadd.s32 $0xFFFFC000  }
0x8a: {  	[tilespmem:s23], [sflag:$0x3] =	stream.indirect.gather [hbm4b:s3+s15], $0x40, s14, s15, $0xb8;
	[tilespmem:$0x16400] =	vst v63  }
0x8b: {  	s14 =	sadd.s32 $0x680, s9  }
0x8c: {  	[tilespmem:s25], [sflag:$0x3] =	stream.indirect.gather [hbm4b:s3+s15], $0x40, s14, s15, $0xb8;
	[tilespmem:$0x16400] =	vst v63  }
.Ltmp0:
0x8d: {  	_ =	swait.ge [sflag:s26], $0x4000;
	(pc) =	sbr.rel @p0 .LBB2_2-.Ltmp0, $4  }
0x8e: {  	s5 =	sadd.s32 $0x2000, s5;
	[sflag:s26] =	ssyncset.done $0x0  }
0x8f: {  	s6 =	sadd.s32 $0x2000, s6;
	s14 =	sadd.s32 $0x700, s9;
	[sflag:s26] =	ssyncadd.s32 $0xFFFFC000  }
0x90: {  	[tilespmem:s28], [sflag:$0x4] =	stream.indirect.gather [hbm4b:s3+s15], $0x40, s14, s15, $0xb8;
	[tilespmem:$0x16400] =	vst v63  }
0x91: {  	s7 =	sadd.s32 $0x2000, s7;
	s8 =	sadd.s32 $0x2000, s8;
	s9 =	sadd.s32 $0x780, s9  }
0x92: {  	[tilespmem:s30], [sflag:$0x4] =	stream.indirect.gather [hbm4b:s3+s15], $0x40, s9, s15, $0xb8;
	[tilespmem:$0x16400] =	vst v63  }
0x93: {  	_ =	swait.ge [sflag:s31], $0x2000  }
0x94: {  	[sflag:s31] =	ssyncset.done $0x0  }
0x95: {  	[sflag:s31] =	ssyncadd.s32 $0xFFFFE000  }
0x96: {  	_ =	swait.ge [sflag:s31], $0x2000  }
0x97: {  	[sflag:s31] =	ssyncset.done $0x0  }
0x98: {  	s4 =	rddreg [dreg:$0x4];
	[sflag:s31] =	ssyncadd.s32 $0xFFFFE000  }
0x99: {  	[hbm4b:s4+s2] =	stream.linear.scatter [tilespmem:s16], [sflag:$0x5], $0x4000, $0x38;
	[tilespmem:$0x16400] =	vst v63  }
0x9a: {  	_ =	swait.ge [sflag:s0], $0x2000  }
0x9b: {  	[sflag:s0] =	ssyncset.done $0x0  }
0x9c: {  	[sflag:s0] =	ssyncadd.s32 $0xFFFFE000  }
0x9d: {  	_ =	swait.ge [sflag:s0], $0x2000  }
0x9e: {  	[sflag:s0] =	ssyncset.done $0x0  }
0x9f: {  	s7 =	rddreg [dreg:$0x5];
	[sflag:s0] =	ssyncadd.s32 $0xFFFFE000  }
0xa0: {  	[hbm4b:s7+s2] =	stream.linear.scatter [tilespmem:s19], [sflag:$0x6], $0x4000, $0x38;
	[tilespmem:$0x16400] =	vst v63  }
0xa1: {  	_ =	swait.ge [sflag:s1], $0x2000  }
0xa2: {  	[sflag:s1] =	ssyncset.done $0x0  }
0xa3: {  	[sflag:s1] =	ssyncadd.s32 $0xFFFFE000  }
0xa4: {  	_ =	swait.ge [sflag:s1], $0x2000  }
0xa5: {  	[sflag:s1] =	ssyncset.done $0x0  }
0xa6: {  	s8 =	rddreg [dreg:$0x6];
	[sflag:s1] =	ssyncadd.s32 $0xFFFFE000  }
0xa7: {  	[hbm4b:s8+s2] =	stream.linear.scatter [tilespmem:s23], [sflag:$0x7], $0x4000, $0x38;
	[tilespmem:$0x16400] =	vst v63  }
0xa8: {  	_ =	swait.ge [sflag:s18], $0x2000  }
0xa9: {  	[sflag:s18] =	ssyncset.done $0x0  }
0xaa: {  	[sflag:s18] =	ssyncadd.s32 $0xFFFFE000  }
0xab: {  	_ =	swait.ge [sflag:s18], $0x2000  }
0xac: {  	[sflag:s18] =	ssyncset.done $0x0  }
0xad: {  	s9 =	rddreg [dreg:$0x7];
	[sflag:s18] =	ssyncadd.s32 $0xFFFFE000  }
0xae: {  	[hbm4b:s9+s2] =	stream.linear.scatter [tilespmem:s28], [sflag:$0x8], $0x4000, $0x38;
	[tilespmem:$0x16400] =	vst v63  }
0xaf: {  	_ =	swait.ge [sflag:s20], $0x4000  }
0xb0: {  	[sflag:s20] =	ssyncset.done $0x0  }
0xb1: {  	[sflag:s20] =	ssyncadd.s32 $0xFFFFC000  }
0xb2: {  	_ =	swait.ge [sflag:s22], $0x4000  }
0xb3: {  	[sflag:s22] =	ssyncset.done $0x0  }
0xb4: {  	[sflag:s22] =	ssyncadd.s32 $0xFFFFC000  }
0xb5: {  	_ =	swait.ge [sflag:s24], $0x4000  }
0xb6: {  	[sflag:s24] =	ssyncset.done $0x0  }
0xb7: {  	[sflag:s24] =	ssyncadd.s32 $0xFFFFC000  }
0xb8: {  	_ =	swait.ge [sflag:s26], $0x4000  }
0xb9: {  	s29 =	sadd.s32 $0x1, s29;
	s14 =	rddreg [dreg:$0x8]  }
0xba: {  	p0 =	sne.s32 s29, s14  }
.Ltmp1:
0xbb: {  	_ = 	snop;
	(pc) =	sbr.rel @p0 .LBB2_1-.Ltmp1, $3  }
0xbc: {  	_ =	sdelay $0x1  }
0xbd: {  	[sflag:s26] =	ssyncset.done $0x0  }
0xbe: {  	[sflag:s26] =	ssyncadd.s32 $0xFFFFC000  }
0xbf: {  	_ =	sfence.sel $0x180000  }
0xc0: {  	[bflag:$0x0] =	sbarrier.arrive $0xFFFF  }
0xc1: {  	_ =	strace $0x90000047  }
0xc2: {  	s0 =	stileid.u32;
	[bflag:$0x2] =	sbarrier.arrive $0xFFFF  }
0xc3: {  	p0 =	sne.s32 s0, $0x0;
	s0 =	rddreg [dreg:$0x2]  }
0xc4: {  	s0 =	sadd.s32 @!p0 $0x100000, s0  }
0xc5: {  	[sflag:s0] =	ssyncadd.tile.s32 @!p0 $0x1;
	_ =	shalt  }
.Lfunc_end2:
_tile_overlayer_lowered:
.L_overlay_start_2:
0xc6: {  	(tag) =	ssettag $0x2  }
0xc7: {  	s0 =	rddreg [dreg:$0x0];
	s2 =	stileid.u32  }
0xc8: {  	s1 =	rddreg [dreg:$0x1];
	p0 =	sne.s32 s2, $0x0  }
0xc9: {  	s3 =	rddreg [dreg:$0x2];
	[bflag:$0x3] =	sbarrier.arrive $0xFFFF;
	s2 =	simm.s32 @!p0 $0x1C09  }
0xca: {  	[timem:s3], [sflag:s2] =	dma.local @!p0 [hbm:s0], s1  }
0xcb: {  	s0 =	simm.s32 @!p0 $0x9  }
0xcc: {  	_ =	swait.ge @!p0 [sflag:s0], s1  }
0xcd: {  	s1 =	ssub.s32 @!p0 $0x0, s1;
	[sflag:s0] =	ssyncset.done @!p0 $0x0  }
0xce: {  	[sflag:s0] =	ssyncadd.s32 @!p0 s1  }
0xcf: {  	[bflag:$0x3] =	sbarrier.arrive $0xFFFF  }
0xd0: {  	_ =	shalt  }

// kernel: sparse-core-data-format-call.cloned.1.call-start
scs
called_computation_lowered:
.L_overlay_start_0:
0x0: {  	s2 =	sld [smem:$0x3FD9]  }
0x1: {  	s3 =	sld [smem:$0x3FFE];
	_ =	sdelay $0x1  }
0x2: {  	s1 =	srdreg.scid  }
0x3: {  	s0 =	sand.u32 $0x1, s1  }
0x4: {  	s18 =	sshll.u32 s0, $0xA;
	s2 =	sadd.s32 s3, s2  }
0x5: {  	s2 =	sadd.s32 s2, s18  }
0x6: {  	[smem:$0x3FC6] =	sst s2  }
0x7: {  	_ = 	snop  }
0x8: {  	s2 =	sld [smem:$0x3FD0];
	(tm) =	ssettm $0x1  }
0x9: {  	s19 =	sld [smem:$0x3FFB];
	_ =	sdelay $0x3  }
0xa: {  	_ =	strace s19  }
0xb: {  	s3 =	sld [smem:$0x3FFC];
	_ =	sdelay $0x3  }
0xc: {  	_ =	strace s3  }
0xd: {  	s3 =	sld [smem:$0x3FFD];
	_ =	sdelay $0x3  }
0xe: {  	_ =	strace s3  }
0xf: {  	_ =	strace $0x8FFFFFFF  }
0x10: {  	s20 =	sld [smem:$0x3FDB];
	_ =	sdelay $0x1  }
0x11: {  	s4 =	simm.s32 $_scs_section_size  }
0x12: {  	s5 =	simm.s32 $_size__tile_overlayer_lowered;
	s6 =	simm.s32 $_tile_overlayer_lowered  }
0x13: {  	s23 =	simm.s32 $0x1BFF;
	s22 =	sshll.u32 s6, $0x1;
	s3 =	sadd.s32 s4, s20  }
0x14: {  	s7 =	simm.s32 $0x0;
	s21 =	sshll.u32 s5, $0x1;
	s5 =	sadd.s32 s22, s3  }
0x15: {  	[timem:s7], [sflag:s23] =	dma.local [hbm:s5], s21  }
0x16: {  	_ =	swait.ge [sflag:s23], s21  }
0x17: {  	s4 =	ssub.s32 $0x0, s21;
	[sflag:s23] =	ssyncset.done $0x0  }
0x18: {  	[sflag:s23] =	ssyncadd.s32 s4;
	_ =	sdelay $0x1  }
0x19: {  	s24 =	simm.s32 $0x1B8B  }
0x1a: {  	_ =	swait.ge [sflag:s24], $0x1  }
0x1b: {  	[sflag:s24] =	ssyncset.done $0x0  }
0x1c: {  	s26 =	simm.s32 $0x1B8E;
	s25 =	sld [smem:$0x3FFE];
	[sflag:s24] =	ssyncadd.s32 $0xFFFFFFFF  }
0x1d: {  	s27 =	simm.s32 $execute0_lowered;
	[smem:$0x3FD2] =	sst s26  }
0x1e: {  	s5 =	sshll.u32 s27, $0x1;
	_ =	strace $0x80000049;
	[dreg:$0x1] =	wrdreg $0xFFFFFFFF  }
0x1f: {  	s28 =	simm.s32 $_size_execute0_lowered;
	s3 =	sadd.s32 s3, s5;
	[dreg:$0x0] =	wrdreg $0x0  }
0x20: {  	s5 =	sshll.u32 s28, $0x1;
	[dreg:$0x2] =	wrdreg s3  }
0x21: {  	[dreg:$0x3] =	wrdreg s5  }
0x22: {  	[dreg:$0x4] =	wrdreg $0xC0  }
0x23: {  	_ =	task [dreg:s7], $0x5FFFF  }
0x24: {  	[dreg:$0x1] =	wrdreg $0xFFFFFFFF  }
0x25: {  	[dreg:$0x0] =	wrdreg $0x60  }
0x26: {  	[dreg:$0x2] =	wrdreg s25  }
0x27: {  	[dreg:$0x3] =	wrdreg s2  }
0x28: {  	[dreg:$0x4] =	wrdreg $0x9  }
0x29: {  	_ =	task.clear_ibuf [dreg:s7], $0x5FFFF;
	_ =	strace $0x90000049  }
0x2a: {  	s29 =	simm.s32 $0x9;
	_ =	strace $0x8000004B  }
0x2b: {  	_ =	swait.ge [sflag:s29], $0x1  }
0x2c: {  	[sflag:s29] =	ssyncadd.s32 $0xFFFFFFFF  }
0x2d: {  	_ =	strace $0x9000004B  }
0x2e: {  	_ =	sfence  }
0x2f: {  	s30 =	sld [smem:$0x0];
	_ =	sdelay $0x2  }
0x30: {  	s31 =	sshll.u32 s1, $0xD;
	s1 =	sshrl.u32 s1, $0x2  }
0x31: {  	s3 =	sand.u32 $0x4000, s31;
	s1 =	sadd.s32 s1, s30  }
0x32: {  	s0 =	sor.u32 s3, s0;
	s1 =	sshll.u32 s1, $0x11  }
0x33: {  	s0 =	sor.u32 s1, s0  }
0x34: {  	s0 =	sadd.s32 $0x8F2B, s0  }
0x35: {  	[sflag:s0] =	ssyncadd.remote.s32 $0x1  }
0x36: {  	_ =	sfence.sel $0xFFFF  }
0x37: {  	[dreg:$0x0] =	wrdreg $0xFFFFFFFF;
	(pc) =	sbr.abs _section_cstart, $3  }
0x38: {  	[dreg:$0x1] =	wrdreg $0xFFFFFFFF  }
0x39: {  	_ =	task.clear_ibuf [dreg:s7], $0x2FFFF;
	_ =	strace $0x9FFFFFFF  }
0x3a: {  	(tm) =	ssettm $0x7FFFFFFF  }
0x3b: {  	_ =	shalt  }
tec
execute0_lowered:
.L_overlay_start_1:
0x0: {  	(tag) =	ssettag $0x1  }
0x1: {  	s0 =	srdreg.scid  }
0x2: {  	s1 =	sshll.u32 s0, $0x4  }
0x3: {  	s0 =	stileid.u32;
	s1 =	sand.u32 $0x10, s1  }
0x4: {  	s1 =	sor.u32 s0, s1  }
0x5: {  	s6 =	rddreg [dreg:$0x0];
	s4 =	simm.s32 $0x1;
	s2 =	sshll.u32 s1, $0x7  }
0x6: {  	s7 =	simm.s32 $0x2;
	s12 =	simm.s32 $0x0;
	s1 =	ssub.s32 $0x1000, s2  }
0x7: {  	s8 =	simm.s32 $0x8000;
	s13 =	simm.s32 $0x0;
	s3 =	sand.u32 $0xF80, s1  }
0x8: {  	s9 =	simm.s32 $0x0;
	s5 =	sshrl.u32 s1, $0xC;
	p0 =	sne.s32 s3, $0x0  }
.Ltmp0:
0x9: {  	s1 =	rddreg [dreg:$0x2];
	s4 =	simm.s32 @!p0 $0x0;
	(pc) =	sbr.rel .LBB1_1-.Ltmp0, $4  }
0xa: {  	s11 =	simm.s32 $0x0;
	s3 =	rddreg [dreg:$0x1];
	s5 =	sadd.s32 s4, s5  }
0xb: {  	_ =	strace $0x8000004A;
	s4 =	simm.s32 $0x1;
	s5 =	smul.u32 $0xC8, s5  }
0xc: {  	s6 =	sadd.s32 $0xA00, s6;
	s10 =	smov.u32 s2;
	[sflag:s4] =	ssyncpa.u1 $0x0  }
0xd: {  	p0 =	por $0x0, $0x0;
	[sflag:s7] =	ssyncpa.u1 $0x0;
	s7 =	sor.u32 $0x1, s5  }
.LBB1_4:
0xe: {  	s16 =	sshll.u32 s13, $0x3;
	s17 =	sand.u32 $0x78, s13  }
0xf: {  	s30 =	sand.u32 $0x7E00, s13;
	s12 =	sshll.u32 s12, $0xF;
	s16 =	sand.u32 $0xC00, s16  }
0x10: {  	[tilespmem:s15+$0x810 ss:$0x81] =	vst.msk $0xffff, v2;
	s31 =	sand.u32 $0x7, s13;
	s16 =	sor.u32 s17, s16;
	s17 =	sadd.s32 s3, s30  }
0x11: {  	[tilespmem:s15+$0x1020 ss:$0x81] =	vst.msk $0xffff, v0;
	s13 =	sshll.u32 s31, $0x12;
	s12 =	sadd.s32 s12, s17;
	s16 =	sshrl.u32 s16, $0x3  }
0x12: {  	[tilespmem:s15+$0x0 ss:$0x81] =	vst.msk $0xffff, v1;
	s13 =	sor.u32 $0x400, s13;
	s12 =	sadd.s32 s16, s12  }
0x13: {  	[hbm4b:s12+s13] =	stream.strided.scatter [tilespmem:s14], [sflag:$0x2], $0x2000, s8, s13, $0x20;
	[tilespmem:$0x8080] =	vst v63  }
.LBB1_5:
0x14: {  	s14 =	sadd.s32 $0x1, s9  }
0x15: {  	s12 =	sadd.s32 $0x1000, s10;
	s16 =	smov.u32 s10;
	p2 =	sgt.s32 s14, $0xC7  }
0x16: {  	s16 =	smov.u32 @p2 s12  }
0x17: {  	s14 =	simm.s32 @p2 $0x0;
	p2 =	sgt.s32 s16, $0xFFF  }
0x18: {  	s16 =	smov.u32 @p2 s2;
	p2 =	sne.s32 s11, s7  }
.Ltmp1:
0x19: {  	p1 =	slt.u32 s11, $0x2;
	(pc) =	sbr.rel @!p2 .LBB1_6-.Ltmp1, $4  }
0x1a: {  	s15 =	simm.s32 @!p1 $0x2  }
0x1b: {  	s13 =	smov.u32 s10;
	p0 =	por !p0, !p0;
	_ =	swait.ge @!p1 [sflag:s15], $0x2000  }
0x1c: {  	s12 =	smov.u32 s9;
	[sflag:s15] =	ssyncset.done @!p1 $0x0;
	s9 =	smov.u32 s14  }
0x1d: {  	s11 =	sadd.s32 $0x1, s11;
	[sflag:s15] =	ssyncadd.s32 @!p1 $0xFFFFE000;
	s10 =	smov.u32 s16  }
.LBB1_1:
0x1e: {  	p1 =	sge.u32 s11, s5  }
0x1f: {  	s14 =	sand.u32 @!p1 $0x1FFFFFF, s9  }
0x20: {  	s15 =	smulhi.u32 @!p1 $0x147AE15, s14;
	_ =	sdelay $0x1  }
0x21: {  	s15 =	smul.u32 @!p1 $0xC8, s15  }
0x22: {  	s16 =	sxor.u32 @!p1 $0xFFFFFFFF, s11;
	s17 =	smul.u32 @!p1 $0xC80, s10  }
0x23: {  	s31 =	sadd.s32 $0xFFFFFFFF, s11;
	s16 =	sshll.u32 @!p1 s16, $0xD;
	s14 =	ssub.s32 @!p1 s14, s15  }
0x24: {  	s15 =	sand.u32 @!p1 $0x2000, s16;
	s16 =	sadd.s32 @!p1 s6, s17;
	s14 =	sshll.u32 @!p1 s14, $0x4  }
0x25: {  	s17 =	simm.s32 @!p1 $0x6400;
	s14 =	sadd.s32 @!p1 s14, s16;
	s16 =	simm.s32 @!p1 $0x40  }
0x26: {  	[tilespmem:s15], [sflag:$0x1] =	stream.strided.gather @!p1 [hbm4b:s14+s16], $0x2000, s17, s16, $0x38;
	[tilespmem:$0x8080] =	vst v63  }
0x27: {  	p1 =	sge.u32 s31, s5  }
.Ltmp2:
0x28: {  	_ = 	snop;
	(pc) =	sbr.rel @p1 .LBB1_5-.Ltmp2, $1  }
0x29: {  	_ =	sdelay $0x3  }
0x2a: {  	s14 =	simm.s32 $0x1  }
0x2b: {  	_ =	swait.ge [sflag:s4], $0x2000;
	s14 =	simm.s32 @!p0 $0x0  }
0x2c: {  	[sflag:s4] =	ssyncset.done $0x0;
	s15 =	sshll.u32 s14, $0xD  }
0x2d: {  	[sflag:s4] =	ssyncadd.s32 $0xFFFFE000;
	s18 =	sor.u32 $0x20, s15  }
0x2e: {  	s14 =	smul.u32 $0x8100, s14;
	v3 =	vld [tilespmem:s18+$0x10]  }
0x2f: {  	s30 =	sand.u32 $0x1, s11;
	v2 =	vld [tilespmem:s18+$0xFFFFFFF0]  }
0x30: {  	s15 =	smul.u32 $0x8100, s30;
	s14 =	sshrl.u32 s14, $0x2;
	v0 =	vld [tilespmem:s18+$0x0]  }
0x31: {  	v1 =	vld [tilespmem:s18+$0xFFFFFFE0];
	s16 =	sor.u32 $0x4000, s14  }
0x32: {  	s31 =	sshrl.u32 s15, $0x2;
	s15 =	sadd.s32 $0x0, s16  }
0x33: {  	s17 =	simm.s32 $0x4;
	s18 =	sadd.s32 $0x40, s18;
	s14 =	sor.u32 $0x4000, s31;
	[tilespmem:s15+$0x1830 ss:$0x81] =	vst.msk $0xffff, v3  }
.LBB1_3:
0x34: {  	v3 =	vld [tilespmem:s18+$0x10];
	p1 =	sne.s32 s17, $0x1FC;
	[tilespmem:s15+$0x810 ss:$0x81] =	vst.msk $0xffff, v2;
	s19 =	smov.u32 s17;
	s17 =	sadd.s32 $0x4, s17  }
.Ltmp3:
0x35: {  	v2 =	vld [tilespmem:s18+$0xFFFFFFF0];
	[tilespmem:s15+$0x1020 ss:$0x81] =	vst.msk $0xffff, v0;
	(pc) =	sbr.rel @p1 .LBB1_3-.Ltmp3, $4  }
0x36: {  	v0 =	vld [tilespmem:s18+$0x0];
	[tilespmem:s15+$0x0 ss:$0x81] =	vst.msk $0xffff, v1  }
0x37: {  	s15 =	sshra.s32 s19, $0x2;
	v1 =	vld [tilespmem:s18+$0xFFFFFFE0]  }
0x38: {  	s15 =	sadd.s32 s15, s16  }
0x39: {  	s18 =	sadd.s32 $0x40, s18;
	[tilespmem:s15+$0x1830 ss:$0x81] =	vst.msk $0xffff, v3  }
.Ltmp4:
0x3a: {  	_ = 	snop;
	(pc) =	sbr.rel .LBB1_4-.Ltmp4, $1  }
0x3b: {  	_ =	sdelay $0x3  }
.LBB1_6:
0x3c: {  	_ =	sfence.sel $0x180000  }
0x3d: {  	s2 =	simm.s32 $0x1;
	[bflag:$0x0] =	sbarrier.arrive $0xFFFF  }
0x3e: {  	s31 =	simm.s32 $0x2;
	[sflag:s2] =	ssyncpa.u1 $0x1  }
0x3f: {  	[sflag:s31] =	ssyncpa.u1 $0x1  }
0x40: {  	p0 =	sne.s32 s0, $0x0;
	_ =	strace $0x9000004A  }
0x41: {  	s0 =	sadd.s32 @!p0 $0x100000, s1;
	[bflag:$0x2] =	sbarrier.arrive $0xFFFF  }
0x42: {  	[sflag:s0] =	ssyncadd.tile.s32 @!p0 $0x1;
	_ =	shalt  }
.Lfunc_end1:
_tile_overlayer_lowered:
.L_overlay_start_2:
0x43: {  	(tag) =	ssettag $0x2  }
0x44: {  	s0 =	rddreg [dreg:$0x0];
	s2 =	stileid.u32  }
0x45: {  	s1 =	rddreg [dreg:$0x1];
	p0 =	sne.s32 s2, $0x0  }
0x46: {  	s3 =	rddreg [dreg:$0x2];
	[bflag:$0x3] =	sbarrier.arrive $0xFFFF;
	s2 =	simm.s32 @!p0 $0x1C01  }
0x47: {  	[timem:s3], [sflag:s2] =	dma.local @!p0 [hbm:s0], s1  }
0x48: {  	s0 =	simm.s32 @!p0 $0x1  }
0x49: {  	_ =	swait.ge @!p0 [sflag:s0], s1  }
0x4a: {  	s1 =	ssub.s32 @!p0 $0x0, s1;
	[sflag:s0] =	ssyncset.done @!p0 $0x0  }
0x4b: {  	[sflag:s0] =	ssyncadd.s32 @!p0 s1  }
0x4c: {  	[bflag:$0x3] =	sbarrier.arrive $0xFFFF  }
0x4d: {  	_ =	shalt  }

</sc_bundles>
